<compile_context>
chip_gen: v7x
topology: tpu7x:2x2x1
jax: 0.10.2.dev20260603
libtpu: 0.0.44.dev20260713+nightly
codegen_flags: <defaults>
</compile_context>

<pallas_src>
import functools

import jax
import jax.numpy as jnp
from jax import lax
from jax.experimental import pallas as pl
from jax.experimental.pallas import tpu as pltpu
from jax.experimental.pallas import tpu_sc as plsc

_N = 16384
_S = 2048
_K1 = 65
_R2 = 1.0
_NW = 32
_QPW = _N // _NW
_WPS = _S // _QPW
_CAP = 128
_BUF = 144
_NCH = _CAP // 16
_T0 = 0.095
_NHB = 256
_OUTW = _QPW * _K1
_BIGI = 1 << 30


def _knn_body(ct, oi_hbm, od_hbm, cx, cy, cz, cw, cxb, cyb, czb, cwb, csq,
              dbuf, hist, vb, ib, oib, odb):
    wid = lax.axis_index("s") * 2 + lax.axis_index("c")
    seg = wid // _WPS
    q0 = (wid % _WPS) * _QPW

    pltpu.sync_copy(ct.at[pl.ds(0 * _N + seg * _S, _S)], cx)
    pltpu.sync_copy(ct.at[pl.ds(1 * _N + seg * _S, _S)], cy)
    pltpu.sync_copy(ct.at[pl.ds(2 * _N + seg * _S, _S)], cz)
    pltpu.sync_copy(ct.at[pl.ds(3 * _N + seg * _S, _S)], cw)

    lanes = lax.iota(jnp.int32, 16)
    lane0 = lanes == 0
    inf16 = jnp.full((16,), jnp.inf, jnp.float32)
    big16 = jnp.full((16,), _BIGI, jnp.int32)

    def bf16r(x):
        b = plsc.bitcast(x, jnp.int32)
        r = b + jnp.int32(0x7FFF) + ((b >> 16) & jnp.int32(1))
        return plsc.bitcast(r & jnp.int32(-65536), jnp.float32)

    def prep(k, _):
        sl = pl.ds(k * 16, 16)
        x = cx[sl]
        y = cy[sl]
        z = cz[sl]
        w = cw[sl]
        csq[sl] = (x * x + y * y) + (z * z + w * w)
        cxb[sl] = bf16r(x)
        cyb[sl] = bf16r(y)
        czb[sl] = bf16r(z)
        cwb[sl] = bf16r(w)
        return 0

    lax.fori_loop(0, _S // 16, prep, 0)

    def per_query(qi, _):
        qseg = q0 + qi
        qsplat = jnp.full((16,), qseg, jnp.int32)
        qsq = plsc.load_gather(csq, [qsplat])
        qx = plsc.load_gather(cxb, [qsplat])
        qy = plsc.load_gather(cyb, [qsplat])
        qz = plsc.load_gather(czb, [qsplat])
        qw = plsc.load_gather(cwb, [qsplat])

        t0 = jnp.full((16,), jnp.float32(_T0))

        def dist_body(k, c):
            for u in range(4):
                sl = pl.ds(k * 64 + u * 16, 16)
                dot = (qx * cxb[sl] + qy * cyb[sl]) + (
                    qz * czb[sl] + qw * cwb[sl])
                d2 = jnp.maximum((qsq + csq[sl]) - 2.0 * dot, 0.0)
                dbuf[sl] = d2
                c = c + plsc.all_reduce_population_count(d2 <= t0)
            return c

        cvec = lax.fori_loop(0, _S // 64, dist_body,
                             jnp.zeros((16,), jnp.int32))
        cnt = jnp.max(cvec)

        def w_cond(st):
            _, _, _, c, it = st
            return jnp.logical_and(
                jnp.logical_or(c < _K1, c > _CAP), it < 40)

        def w_body(st):
            lo, hi, tt, c, it = st
            low = c < _K1
            lo = jnp.where(low, tt, lo)
            hi = jnp.where(low, hi, tt)
            tt = 0.5 * (lo + hi)

            def cb(k, cc):
                for u in range(4):
                    d = dbuf[pl.ds(k * 64 + u * 16, 16)]
                    cc = cc + plsc.all_reduce_population_count(d <= tt)
                return cc

            c2 = lax.fori_loop(0, _S // 64, cb, jnp.zeros((16,), jnp.int32))
            return lo, hi, tt, jnp.max(c2), it + jnp.int32(1)

        st0 = (jnp.zeros((16,), jnp.float32),
               jnp.full((16,), jnp.float32(4.0)),
               t0, cnt, jnp.int32(0))
        _, _, t, cnt, _ = lax.while_loop(w_cond, w_body, st0)

        for j in range(_BUF // 16):
            vb[pl.ds(j * 16, 16)] = inf16
            ib[pl.ds(j * 16, 16)] = big16

        gb16 = jnp.full((16,), seg * _S, jnp.int32) + lanes

        def comp(k, off):
            for u in range(2):
                sl = pl.ds(k * 32 + u * 16, 16)
                d = dbuf[sl]
                m = d <= t
                offc = jnp.minimum(off, _BUF - 16)
                plsc.store_compressed(vb.at[pl.ds(offc, 16)], d, mask=m)
                plsc.store_compressed(ib.at[pl.ds(offc, 16)],
                                      gb16 + (k * 32 + u * 16), mask=m)
                off = off + plsc.all_reduce_population_count(m)[0]
            return off

        lax.fori_loop(0, _S // 32, comp, jnp.int32(0))

        def cmpx(a, b):
            ka, va = a
            kb, vb2 = b
            le = jnp.logical_or(
                ka < kb, jnp.logical_and(ka == kb, va < vb2))
            lo = (jnp.where(le, ka, kb), jnp.where(le, va, vb2))
            hi = (jnp.where(le, kb, ka), jnp.where(le, vb2, va))
            return lo, hi

        def bimerge(s):
            if len(s) == 1:
                k, v = s[0]
                return [plsc.sort_key_val(k, v)]
            half = len(s) // 2
            lo = []
            hi = []
            for i in range(half):
                l, h = cmpx(s[i], s[i + half])
                lo.append(l)
                hi.append(h)
            return bimerge(lo) + bimerge(hi)

        def merge_runs(a, b):
            k = len(a)
            lo = []
            hi = []
            for i in range(k):
                rk = lax.rev(b[k - 1 - i][0], (0,))
                rv = lax.rev(b[k - 1 - i][1], (0,))
                l, h = cmpx(a[i], (rk, rv))
                lo.append(l)
                hi.append(h)
            return bimerge(lo) + bimerge(hi)

        runs = [[plsc.sort_key_val(vb[pl.ds(i * 16, 16)],
                                   ib[pl.ds(i * 16, 16)])]
                for i in range(_NCH)]
        while len(runs) > 1:
            runs = [merge_runs(runs[j], runs[j + 1])
                    for j in range(0, len(runs), 2)]
        srt = runs[0]

        obase = qi * _K1
        for j in range(_K1 // 16 + 1):
            kv, iv = srt[j]
            keep = kv <= _R2
            ovv = jnp.where(keep, kv, 0.0)
            oiv = jnp.where(keep, iv, jnp.int32(-1))
            posn = jnp.full((16,), obase + j * 16, jnp.int32) + lanes
            m = lane0 if j == _K1 // 16 else None
            plsc.store_scatter(odb, [posn], ovv, mask=m)
            plsc.store_scatter(oib, [posn], oiv, mask=m)
        return 0

    lax.fori_loop(0, _QPW, per_query, 0)

    pltpu.sync_copy(oib, oi_hbm.at[pl.ds(wid * _OUTW, _OUTW)])
    pltpu.sync_copy(odb, od_hbm.at[pl.ds(wid * _OUTW, _OUTW)])


def kernel(coordinates, row_splits):
    del row_splits
    ct = coordinates.T.reshape(-1)
    knn = pl.kernel(
        _knn_body,
        out_type=[
            jax.ShapeDtypeStruct((_N * _K1,), jnp.int32),
            jax.ShapeDtypeStruct((_N * _K1,), jnp.float32),
        ],
        mesh=plsc.VectorSubcoreMesh(core_axis_name="c", subcore_axis_name="s"),
        compiler_params=pltpu.CompilerParams(needs_layout_passes=False),
        scratch_types=[
            pltpu.VMEM((_S,), jnp.float32),
            pltpu.VMEM((_S,), jnp.float32),
            pltpu.VMEM((_S,), jnp.float32),
            pltpu.VMEM((_S,), jnp.float32),
            pltpu.VMEM((_S,), jnp.float32),
            pltpu.VMEM((_S,), jnp.float32),
            pltpu.VMEM((_S,), jnp.float32),
            pltpu.VMEM((_S,), jnp.float32),
            pltpu.VMEM((_S,), jnp.float32),
            pltpu.VMEM((_S,), jnp.float32),
            pltpu.VMEM((_NHB,), jnp.int32),
            pltpu.VMEM((_BUF,), jnp.float32),
            pltpu.VMEM((_BUF,), jnp.int32),
            pltpu.VMEM((_OUTW,), jnp.int32),
            pltpu.VMEM((_OUTW,), jnp.float32),
        ],
    )
    idx_flat, dist_flat = knn(ct)
    return idx_flat.reshape(_N, _K1), dist_flat.reshape(_N, _K1)

# --- scband reference (transcript-rebuilt; emitter-appended) ---
"""Pipeline reference for scband-knn-62629213110352 (READ-ONLY COPY).

The authoritative reference and input builder live on the scoring server;
editing this copy changes nothing except your own understanding.
"""

import jax, jax.numpy as jnp
import numpy as np

K = 64
RADIUS = 1.0


def setup_inputs(seed: int = 0):
    key = jax.random.key(seed)
    B, S, D = 8, 2048, 4
    coords = jax.random.uniform(key, (B * S, D), dtype=jnp.float32)
    # row_splits: uniform segments [0, 2048, 4096, ..., 16384]
    row_splits = jnp.arange(B + 1, dtype=jnp.int32) * S
    return {"coordinates": coords, "row_splits": row_splits}


def _select_knn(coords, row_splits, K, radius):
    # Faithful jax translation of SelectKnn(K+1, coords, row_splits,
    # max_radius=radius, tf_compatible=False):
    #  - neighbors are searched only within the same row_splits segment
    #  - returns squared distances; first neighbor is the point itself (dist 0)
    #  - neighbors beyond max radius get idx = -1 and dist = 0
    B = row_splits.shape[0] - 1
    N, D = coords.shape
    S = N // B  # uniform segments as built in setup_inputs
    c = coords.reshape(B, S, D)
    csq = jnp.sum(c * c, axis=-1)  # [B, S]
    d2 = csq[:, :, None] + csq[:, None, :] - 2.0 * jnp.einsum('bik,bjk->bij', c, c)
    d2 = jnp.maximum(d2, 0.0)  # [B, S, S] squared distances
    vals, idx_local = jax.lax.top_k(-d2, K + 1)  # K+1 smallest distances (incl. self)
    dist = -vals  # [B, S, K+1]
    offsets = row_splits[:-1].astype(jnp.int32)[:, None, None]
    idx_global = idx_local.astype(jnp.int32) + offsets
    mask = dist > radius * radius  # beyond max radius
    idx_out = jnp.where(mask, jnp.int32(-1), idx_global).reshape(-1, K + 1)
    dist_out = jnp.where(mask, 0.0, dist).reshape(-1, K + 1)
    return idx_out, dist_out


def reference(coordinates, row_splits):
    idx, dist = _select_knn(coordinates, row_splits, K, RADIUS)
    return (idx, dist)

if __name__ == "__main__":
    import jax
    _d = setup_inputs()
    print(jax.jit(kernel)(*tuple(_d.values())))

</pallas_src>

<mosaic_0001>
#map = affine_map<(d0, d1) -> (0)>
module attributes {stable_mosaic.version = 14 : i64} {
  func.func @_knn_body(%arg0: i32, %arg1: i32, %arg2: memref<65536xf32, #tpu.memory_space<hbm>>, %arg3: memref<1064960xi32, #tpu.memory_space<hbm>>, %arg4: memref<1064960xf32, #tpu.memory_space<hbm>>, %arg5: memref<2048xf32, #tpu.memory_space<vmem>>, %arg6: memref<2048xf32, #tpu.memory_space<vmem>>, %arg7: memref<2048xf32, #tpu.memory_space<vmem>>, %arg8: memref<2048xf32, #tpu.memory_space<vmem>>, %arg9: memref<2048xf32, #tpu.memory_space<vmem>>, %arg10: memref<2048xf32, #tpu.memory_space<vmem>>, %arg11: memref<2048xf32, #tpu.memory_space<vmem>>, %arg12: memref<2048xf32, #tpu.memory_space<vmem>>, %arg13: memref<2048xf32, #tpu.memory_space<vmem>>, %arg14: memref<2048xf32, #tpu.memory_space<vmem>>, %arg15: memref<256xi32, #tpu.memory_space<vmem>>, %arg16: memref<144xf32, #tpu.memory_space<vmem>>, %arg17: memref<144xi32, #tpu.memory_space<vmem>>, %arg18: memref<33280xi32, #tpu.memory_space<vmem>>, %arg19: memref<33280xf32, #tpu.memory_space<vmem>>) attributes {dimension_semantics = [#tpu.dimension_semantics<core_parallel>, #tpu.dimension_semantics<subcore_parallel>], iteration_bounds = array<i64: 2, 16>, scalar_prefetch = 0 : i64, scratch_operands = 15 : i64, tpu.core_type = #tpu.core_type<sc_vector_subcore>, window_params = [{transform_indices = #map}, {transform_indices = #map}, {transform_indices = #map}]} {
    %mul3A = arith.constant 2 : i32
    %mul3A_0 = arith.muli %arg1, %mul3A : i32
    %add3A = arith.addi %mul3A_0, %arg0 : i32
    %jit3A = arith.constant 4 : i32
    %div3A = arith.divsi %add3A, %jit3A : i32
    %sign3A = arith.constant 0 : i32
    %sign3A_1 = arith.cmpi sgt, %add3A, %sign3A : i32
    %sign3A_2 = arith.extui %sign3A_1 : i1 to i32
    %sign3A_3 = arith.constant 0 : i32
    %sign3A_4 = arith.cmpi slt, %add3A, %sign3A_3 : i32
    %sign3A_5 = arith.extui %sign3A_4 : i1 to i32
    %sign3A_6 = arith.subi %sign3A_2, %sign3A_5 : i32
    %sign3A_7 = arith.constant 0 : i32
    %sign3A_8 = arith.cmpi sgt, %jit3A, %sign3A_7 : i32
    %sign3A_9 = arith.extui %sign3A_8 : i1 to i32
    %sign3A_10 = arith.constant 0 : i32
    %sign3A_11 = arith.cmpi slt, %jit3A, %sign3A_10 : i32
    %sign3A_12 = arith.extui %sign3A_11 : i1 to i32
    %sign3A_13 = arith.subi %sign3A_9, %sign3A_12 : i32
    %ne3A = arith.cmpi ne, %sign3A_6, %sign3A_13 : i32
    %rem3A = arith.remsi %add3A, %jit3A : i32
    %ne3A_14 = arith.constant 0 : i32
    %ne3A_15 = arith.cmpi ne, %rem3A, %ne3A_14 : i32
    %and3A = arith.andi %ne3A, %ne3A_15 : i1
    %sub3A = arith.constant 1 : i32
    %sub3A_16 = arith.subi %div3A, %sub3A : i32
    %select_n3A = arith.select %and3A, %sub3A_16, %div3A : i32
    %jit3A_17 = arith.constant 4 : i32
    %eq3A = arith.constant 0 : i32
    %eq3A_18 = arith.cmpi eq, %jit3A_17, %eq3A : i32
    %jit3A_19 = arith.constant 1 : i32
    %select_n3A_20 = arith.select %eq3A_18, %jit3A_19, %jit3A_17 : i32
    %rem3A_21 = arith.remsi %add3A, %select_n3A_20 : i32
    %ne3A_22 = arith.constant 0 : i32
    %ne3A_23 = arith.cmpi ne, %rem3A_21, %ne3A_22 : i32
    %lt3A = arith.constant 0 : i32
    %lt3A_24 = arith.cmpi slt, %rem3A_21, %lt3A : i32
    %lt3A_25 = arith.constant 0 : i32
    %lt3A_26 = arith.cmpi slt, %select_n3A_20, %lt3A_25 : i32
    %ne3A_27 = arith.xori %lt3A_24, %lt3A_26 : i1
    %and3A_28 = arith.andi %ne3A_27, %ne3A_23 : i1
    %add3A_29 = arith.addi %rem3A_21, %select_n3A_20 : i32
    %select_n3A_30 = arith.select %and3A_28, %add3A_29, %rem3A_21 : i32
    %mul3A_31 = arith.constant 512 : i32
    %mul3A_32 = arith.muli %select_n3A_30, %mul3A_31 : i32
    %mul3A_33 = arith.constant 2048 : i32
    %mul3A_34 = arith.muli %select_n3A, %mul3A_33 : i32
    %add3A_35 = arith.constant 0 : i32
    %add3A_36 = arith.addi %add3A_35, %mul3A_34 : i32
    "tpu.region"() ({
      %run_scoped3A = tpu.sem_alloc : memref<!tpu.dma_semaphore, #tpu.memory_space<semaphore_mem>>
      %dma_start3A = tpu.memref_slice %arg2[%add3A_36] : memref<65536xf32, #tpu.memory_space<hbm>> -> memref<2048xf32, #tpu.memory_space<hbm>>
      %dma_start3A_72 = tpu.memref_slice %arg2[%add3A_36] : memref<65536xf32, #tpu.memory_space<hbm>> -> memref<2048xf32, #tpu.memory_space<hbm>>
      tpu.enqueue_dma source(%dma_start3A_72 : memref<2048xf32, #tpu.memory_space<hbm>>) target(%arg5 : memref<2048xf32, #tpu.memory_space<vmem>>) target_semaphore(%run_scoped3A : memref<!tpu.dma_semaphore, #tpu.memory_space<semaphore_mem>>)
      %dma_wait3A = tpu.memref_slice %arg2[%add3A_36] : memref<65536xf32, #tpu.memory_space<hbm>> -> memref<2048xf32, #tpu.memory_space<hbm>>
      %dma_wait3A_73 = tpu.memref_slice %arg2[%add3A_36] : memref<65536xf32, #tpu.memory_space<hbm>> -> memref<2048xf32, #tpu.memory_space<hbm>>
      tpu.wait_dma2 semaphore(%run_scoped3A : memref<!tpu.dma_semaphore, #tpu.memory_space<semaphore_mem>>) src(%dma_wait3A_73 : memref<2048xf32, #tpu.memory_space<hbm>>) dst(%arg5 : memref<2048xf32, #tpu.memory_space<vmem>>)
      tpu.yield
    }) : () -> ()
    %mul3A_37 = arith.constant 2048 : i32
    %mul3A_38 = arith.muli %select_n3A, %mul3A_37 : i32
    %add3A_39 = arith.constant 16384 : i32
    %add3A_40 = arith.addi %add3A_39, %mul3A_38 : i32
    "tpu.region"() ({
      %run_scoped3A = tpu.sem_alloc : memref<!tpu.dma_semaphore, #tpu.memory_space<semaphore_mem>>
      %dma_start3A = tpu.memref_slice %arg2[%add3A_40] : memref<65536xf32, #tpu.memory_space<hbm>> -> memref<2048xf32, #tpu.memory_space<hbm>>
      %dma_start3A_72 = tpu.memref_slice %arg2[%add3A_40] : memref<65536xf32, #tpu.memory_space<hbm>> -> memref<2048xf32, #tpu.memory_space<hbm>>
      tpu.enqueue_dma source(%dma_start3A_72 : memref<2048xf32, #tpu.memory_space<hbm>>) target(%arg6 : memref<2048xf32, #tpu.memory_space<vmem>>) target_semaphore(%run_scoped3A : memref<!tpu.dma_semaphore, #tpu.memory_space<semaphore_mem>>)
      %dma_wait3A = tpu.memref_slice %arg2[%add3A_40] : memref<65536xf32, #tpu.memory_space<hbm>> -> memref<2048xf32, #tpu.memory_space<hbm>>
      %dma_wait3A_73 = tpu.memref_slice %arg2[%add3A_40] : memref<65536xf32, #tpu.memory_space<hbm>> -> memref<2048xf32, #tpu.memory_space<hbm>>
      tpu.wait_dma2 semaphore(%run_scoped3A : memref<!tpu.dma_semaphore, #tpu.memory_space<semaphore_mem>>) src(%dma_wait3A_73 : memref<2048xf32, #tpu.memory_space<hbm>>) dst(%arg6 : memref<2048xf32, #tpu.memory_space<vmem>>)
      tpu.yield
    }) : () -> ()
    %mul3A_41 = arith.constant 2048 : i32
    %mul3A_42 = arith.muli %select_n3A, %mul3A_41 : i32
    %add3A_43 = arith.constant 32768 : i32
    %add3A_44 = arith.addi %add3A_43, %mul3A_42 : i32
    "tpu.region"() ({
      %run_scoped3A = tpu.sem_alloc : memref<!tpu.dma_semaphore, #tpu.memory_space<semaphore_mem>>
      %dma_start3A = tpu.memref_slice %arg2[%add3A_44] : memref<65536xf32, #tpu.memory_space<hbm>> -> memref<2048xf32, #tpu.memory_space<hbm>>
      %dma_start3A_72 = tpu.memref_slice %arg2[%add3A_44] : memref<65536xf32, #tpu.memory_space<hbm>> -> memref<2048xf32, #tpu.memory_space<hbm>>
      tpu.enqueue_dma source(%dma_start3A_72 : memref<2048xf32, #tpu.memory_space<hbm>>) target(%arg7 : memref<2048xf32, #tpu.memory_space<vmem>>) target_semaphore(%run_scoped3A : memref<!tpu.dma_semaphore, #tpu.memory_space<semaphore_mem>>)
      %dma_wait3A = tpu.memref_slice %arg2[%add3A_44] : memref<65536xf32, #tpu.memory_space<hbm>> -> memref<2048xf32, #tpu.memory_space<hbm>>
      %dma_wait3A_73 = tpu.memref_slice %arg2[%add3A_44] : memref<65536xf32, #tpu.memory_space<hbm>> -> memref<2048xf32, #tpu.memory_space<hbm>>
      tpu.wait_dma2 semaphore(%run_scoped3A : memref<!tpu.dma_semaphore, #tpu.memory_space<semaphore_mem>>) src(%dma_wait3A_73 : memref<2048xf32, #tpu.memory_space<hbm>>) dst(%arg7 : memref<2048xf32, #tpu.memory_space<vmem>>)
      tpu.yield
    }) : () -> ()
    %mul3A_45 = arith.constant 2048 : i32
    %mul3A_46 = arith.muli %select_n3A, %mul3A_45 : i32
    %add3A_47 = arith.constant 49152 : i32
    %add3A_48 = arith.addi %add3A_47, %mul3A_46 : i32
    "tpu.region"() ({
      %run_scoped3A = tpu.sem_alloc : memref<!tpu.dma_semaphore, #tpu.memory_space<semaphore_mem>>
      %dma_start3A = tpu.memref_slice %arg2[%add3A_48] : memref<65536xf32, #tpu.memory_space<hbm>> -> memref<2048xf32, #tpu.memory_space<hbm>>
      %dma_start3A_72 = tpu.memref_slice %arg2[%add3A_48] : memref<65536xf32, #tpu.memory_space<hbm>> -> memref<2048xf32, #tpu.memory_space<hbm>>
      tpu.enqueue_dma source(%dma_start3A_72 : memref<2048xf32, #tpu.memory_space<hbm>>) target(%arg8 : memref<2048xf32, #tpu.memory_space<vmem>>) target_semaphore(%run_scoped3A : memref<!tpu.dma_semaphore, #tpu.memory_space<semaphore_mem>>)
      %dma_wait3A = tpu.memref_slice %arg2[%add3A_48] : memref<65536xf32, #tpu.memory_space<hbm>> -> memref<2048xf32, #tpu.memory_space<hbm>>
      %dma_wait3A_73 = tpu.memref_slice %arg2[%add3A_48] : memref<65536xf32, #tpu.memory_space<hbm>> -> memref<2048xf32, #tpu.memory_space<hbm>>
      tpu.wait_dma2 semaphore(%run_scoped3A : memref<!tpu.dma_semaphore, #tpu.memory_space<semaphore_mem>>) src(%dma_wait3A_73 : memref<2048xf32, #tpu.memory_space<hbm>>) dst(%arg8 : memref<2048xf32, #tpu.memory_space<vmem>>)
      tpu.yield
    }) : () -> ()
    %iota3A = tpu.iota {dimensions = array<i32: 0>} : vector<16xi32>
    %eq3A_49 = arith.constant 0 : i32
    %eq3A_50 = vector.broadcast %eq3A_49 : i32 to vector<16xi32>
    %eq3A_51 = arith.cmpi eq, %iota3A, %eq3A_50 : vector<16xi32>
    %broadcast_in_dim3A = arith.constant 0x7F800000 : f32
    %broadcast_in_dim3A_52 = vector.broadcast %broadcast_in_dim3A : f32 to vector<16xf32>
    %broadcast_in_dim3A_53 = arith.constant 1073741824 : i32
    %broadcast_in_dim3A_54 = vector.broadcast %broadcast_in_dim3A_53 : i32 to vector<16xi32>
    %scan3A = arith.constant 0 : i32
    %scan3A_55 = arith.constant 0 : i32
    %scan3A_56 = arith.constant 128 : i32
    %scan3A_57 = arith.addi %scan3A_55, %scan3A_56 : i32
    %scan3A_58 = arith.constant 1 : i32
    %scan3A_59 = scf.for %scan3A_72 = %scan3A_55 to %scan3A_57 step %scan3A_58 iter_args(%scan3A_73 = %scan3A) -> (i32)  : i32 {
      %mul3A_74 = arith.constant 16 : i32
      %mul3A_75 = arith.muli %scan3A_72, %mul3A_74 : i32
      %get3A = arith.index_cast %mul3A_75 : i32 to index
      %get3A_76 = tpu.vector_load %arg5[%get3A] {strides = array<i32>} : memref<2048xf32, #tpu.memory_space<vmem>>, vector<16xf32>,
      %get3A_77 = arith.index_cast %mul3A_75 : i32 to index
      %get3A_78 = tpu.vector_load %arg6[%get3A_77] {strides = array<i32>} : memref<2048xf32, #tpu.memory_space<vmem>>, vector<16xf32>,
      %get3A_79 = arith.index_cast %mul3A_75 : i32 to index
      %get3A_80 = tpu.vector_load %arg7[%get3A_79] {strides = array<i32>} : memref<2048xf32, #tpu.memory_space<vmem>>, vector<16xf32>,
      %get3A_81 = arith.index_cast %mul3A_75 : i32 to index
      %get3A_82 = tpu.vector_load %arg8[%get3A_81] {strides = array<i32>} : memref<2048xf32, #tpu.memory_space<vmem>>, vector<16xf32>,
      %mul3A_83 = arith.mulf %get3A_76, %get3A_76 : vector<16xf32>
      %mul3A_84 = arith.mulf %get3A_78, %get3A_78 : vector<16xf32>
      %add3A_85 = arith.addf %mul3A_83, %mul3A_84 : vector<16xf32>
      %mul3A_86 = arith.mulf %get3A_80, %get3A_80 : vector<16xf32>
      %mul3A_87 = arith.mulf %get3A_82, %get3A_82 : vector<16xf32>
      %add3A_88 = arith.addf %mul3A_86, %mul3A_87 : vector<16xf32>
      %add3A_89 = arith.addf %add3A_85, %add3A_88 : vector<16xf32>
      %swap3A = arith.index_cast %mul3A_75 : i32 to index
      %swap3A_90 = tpu.vector_load %arg13[%swap3A] {strides = array<i32>} : memref<2048xf32, #tpu.memory_space<vmem>>, vector<16xf32>,
      tpu.vector_store %arg13[%swap3A], %add3A_89 {strides = array<i32>} : memref<2048xf32, #tpu.memory_space<vmem>>, vector<16xf32>,
      %bitcast3A = vector.bitcast %get3A_76 : vector<16xf32> to vector<16xi32>
      %add3A_91 = arith.constant 32767 : i32
      %add3A_92 = vector.broadcast %add3A_91 : i32 to vector<16xi32>
      %add3A_93 = arith.addi %bitcast3A, %add3A_92 : vector<16xi32>
      %shift_right_arithmetic3A = arith.constant 16 : i32
      %shift_right_arithmetic3A_94 = vector.broadcast %shift_right_arithmetic3A : i32 to vector<16xi32>
      %shift_right_arithmetic3A_95 = arith.shrsi %bitcast3A, %shift_right_arithmetic3A_94 : vector<16xi32>
      %and3A_96 = arith.constant 1 : i32
      %and3A_97 = vector.broadcast %and3A_96 : i32 to vector<16xi32>
      %and3A_98 = arith.andi %shift_right_arithmetic3A_95, %and3A_97 : vector<16xi32>
      %add3A_99 = arith.addi %add3A_93, %and3A_98 : vector<16xi32>
      %and3A_100 = arith.constant -65536 : i32
      %and3A_101 = vector.broadcast %and3A_100 : i32 to vector<16xi32>
      %and3A_102 = arith.andi %add3A_99, %and3A_101 : vector<16xi32>
      %bitcast3A_103 = vector.bitcast %and3A_102 : vector<16xi32> to vector<16xf32>
      %swap3A_104 = arith.index_cast %mul3A_75 : i32 to index
      %swap3A_105 = tpu.vector_load %arg9[%swap3A_104] {strides = array<i32>} : memref<2048xf32, #tpu.memory_space<vmem>>, vector<16xf32>,
      tpu.vector_store %arg9[%swap3A_104], %bitcast3A_103 {strides = array<i32>} : memref<2048xf32, #tpu.memory_space<vmem>>, vector<16xf32>,
      %bitcast3A_106 = vector.bitcast %get3A_78 : vector<16xf32> to vector<16xi32>
      %add3A_107 = arith.constant 32767 : i32
      %add3A_108 = vector.broadcast %add3A_107 : i32 to vector<16xi32>
      %add3A_109 = arith.addi %bitcast3A_106, %add3A_108 : vector<16xi32>
      %shift_right_arithmetic3A_110 = arith.constant 16 : i32
      %shift_right_arithmetic3A_111 = vector.broadcast %shift_right_arithmetic3A_110 : i32 to vector<16xi32>
      %shift_right_arithmetic3A_112 = arith.shrsi %bitcast3A_106, %shift_right_arithmetic3A_111 : vector<16xi32>
      %and3A_113 = arith.constant 1 : i32
      %and3A_114 = vector.broadcast %and3A_113 : i32 to vector<16xi32>
      %and3A_115 = arith.andi %shift_right_arithmetic3A_112, %and3A_114 : vector<16xi32>
      %add3A_116 = arith.addi %add3A_109, %and3A_115 : vector<16xi32>
      %and3A_117 = arith.constant -65536 : i32
      %and3A_118 = vector.broadcast %and3A_117 : i32 to vector<16xi32>
      %and3A_119 = arith.andi %add3A_116, %and3A_118 : vector<16xi32>
      %bitcast3A_120 = vector.bitcast %and3A_119 : vector<16xi32> to vector<16xf32>
      %swap3A_121 = arith.index_cast %mul3A_75 : i32 to index
      %swap3A_122 = tpu.vector_load %arg10[%swap3A_121] {strides = array<i32>} : memref<2048xf32, #tpu.memory_space<vmem>>, vector<16xf32>,
      tpu.vector_store %arg10[%swap3A_121], %bitcast3A_120 {strides = array<i32>} : memref<2048xf32, #tpu.memory_space<vmem>>, vector<16xf32>,
      %bitcast3A_123 = vector.bitcast %get3A_80 : vector<16xf32> to vector<16xi32>
      %add3A_124 = arith.constant 32767 : i32
      %add3A_125 = vector.broadcast %add3A_124 : i32 to vector<16xi32>
      %add3A_126 = arith.addi %bitcast3A_123, %add3A_125 : vector<16xi32>
      %shift_right_arithmetic3A_127 = arith.constant 16 : i32
      %shift_right_arithmetic3A_128 = vector.broadcast %shift_right_arithmetic3A_127 : i32 to vector<16xi32>
      %shift_right_arithmetic3A_129 = arith.shrsi %bitcast3A_123, %shift_right_arithmetic3A_128 : vector<16xi32>
      %and3A_130 = arith.constant 1 : i32
      %and3A_131 = vector.broadcast %and3A_130 : i32 to vector<16xi32>
      %and3A_132 = arith.andi %shift_right_arithmetic3A_129, %and3A_131 : vector<16xi32>
      %add3A_133 = arith.addi %add3A_126, %and3A_132 : vector<16xi32>
      %and3A_134 = arith.constant -65536 : i32
      %and3A_135 = vector.broadcast %and3A_134 : i32 to vector<16xi32>
      %and3A_136 = arith.andi %add3A_133, %and3A_135 : vector<16xi32>
      %bitcast3A_137 = vector.bitcast %and3A_136 : vector<16xi32> to vector<16xf32>
      %swap3A_138 = arith.index_cast %mul3A_75 : i32 to index
      %swap3A_139 = tpu.vector_load %arg11[%swap3A_138] {strides = array<i32>} : memref<2048xf32, #tpu.memory_space<vmem>>, vector<16xf32>,
      tpu.vector_store %arg11[%swap3A_138], %bitcast3A_137 {strides = array<i32>} : memref<2048xf32, #tpu.memory_space<vmem>>, vector<16xf32>,
      %bitcast3A_140 = vector.bitcast %get3A_82 : vector<16xf32> to vector<16xi32>
      %add3A_141 = arith.constant 32767 : i32
      %add3A_142 = vector.broadcast %add3A_141 : i32 to vector<16xi32>
      %add3A_143 = arith.addi %bitcast3A_140, %add3A_142 : vector<16xi32>
      %shift_right_arithmetic3A_144 = arith.constant 16 : i32
      %shift_right_arithmetic3A_145 = vector.broadcast %shift_right_arithmetic3A_144 : i32 to vector<16xi32>
      %shift_right_arithmetic3A_146 = arith.shrsi %bitcast3A_140, %shift_right_arithmetic3A_145 : vector<16xi32>
      %and3A_147 = arith.constant 1 : i32
      %and3A_148 = vector.broadcast %and3A_147 : i32 to vector<16xi32>
      %and3A_149 = arith.andi %shift_right_arithmetic3A_146, %and3A_148 : vector<16xi32>
      %add3A_150 = arith.addi %add3A_143, %and3A_149 : vector<16xi32>
      %and3A_151 = arith.constant -65536 : i32
      %and3A_152 = vector.broadcast %and3A_151 : i32 to vector<16xi32>
      %and3A_153 = arith.andi %add3A_150, %and3A_152 : vector<16xi32>
      %bitcast3A_154 = vector.bitcast %and3A_153 : vector<16xi32> to vector<16xf32>
      %swap3A_155 = arith.index_cast %mul3A_75 : i32 to index
      %swap3A_156 = tpu.vector_load %arg12[%swap3A_155] {strides = array<i32>} : memref<2048xf32, #tpu.memory_space<vmem>>, vector<16xf32>,
      tpu.vector_store %arg12[%swap3A_155], %bitcast3A_154 {strides = array<i32>} : memref<2048xf32, #tpu.memory_space<vmem>>, vector<16xf32>,
      %scan3A_157 = arith.constant 0 : i32
      scf.yield %scan3A_157 : i32
    }
    %scan3A_60 = arith.constant 128 : i32
    %scan3A_61 = arith.constant 0 : i32
    %scan3A_62 = arith.constant 0 : i32
    %scan3A_63 = arith.constant 512 : i32
    %scan3A_64 = arith.addi %scan3A_62, %scan3A_63 : i32
    %scan3A_65 = arith.constant 1 : i32
    %scan3A_66 = scf.for %scan3A_72 = %scan3A_62 to %scan3A_64 step %scan3A_65 iter_args(%scan3A_73 = %scan3A_61) -> (i32)  : i32 {
      %add3A_74 = arith.addi %mul3A_32, %scan3A_72 : i32
      %broadcast_in_dim3A_75 = vector.broadcast %add3A_74 : i32 to vector<16xi32>
      %gather3A = tpu.vector_load_idx %arg13[%broadcast_in_dim3A_75] : memref<2048xf32, #tpu.memory_space<vmem>>[vector<16xi32>], vector<16xf32>,
      %gather3A_76 = tpu.vector_load_idx %arg9[%broadcast_in_dim3A_75] : memref<2048xf32, #tpu.memory_space<vmem>>[vector<16xi32>], vector<16xf32>,
      %gather3A_77 = tpu.vector_load_idx %arg10[%broadcast_in_dim3A_75] : memref<2048xf32, #tpu.memory_space<vmem>>[vector<16xi32>], vector<16xf32>,
      %gather3A_78 = tpu.vector_load_idx %arg11[%broadcast_in_dim3A_75] : memref<2048xf32, #tpu.memory_space<vmem>>[vector<16xi32>], vector<16xf32>,
      %gather3A_79 = tpu.vector_load_idx %arg12[%broadcast_in_dim3A_75] : memref<2048xf32, #tpu.memory_space<vmem>>[vector<16xi32>], vector<16xf32>,
      %broadcast_in_dim3A_80 = arith.constant 0.0949999988 : f32
      %broadcast_in_dim3A_81 = vector.broadcast %broadcast_in_dim3A_80 : f32 to vector<16xf32>
      %broadcast_in_dim3A_82 = arith.constant 0 : i32
      %broadcast_in_dim3A_83 = vector.broadcast %broadcast_in_dim3A_82 : i32 to vector<16xi32>
      %scan3A_84 = arith.constant 0 : i32
      %scan3A_85 = arith.constant 32 : i32
      %scan3A_86 = arith.addi %scan3A_84, %scan3A_85 : i32
      %scan3A_87 = arith.constant 1 : i32
      %scan3A_88 = scf.for %scan3A_707 = %scan3A_84 to %scan3A_86 step %scan3A_87 iter_args(%scan3A_708 = %broadcast_in_dim3A_83) -> (vector<16xi32>)  : i32 {
        %mul3A_709 = arith.constant 64 : i32
        %mul3A_710 = arith.muli %scan3A_707, %mul3A_709 : i32
        %add3A_711 = arith.constant 0 : i32
        %add3A_712 = arith.addi %mul3A_710, %add3A_711 : i32
        %get3A_713 = arith.index_cast %add3A_712 : i32 to index
        %get3A_714 = tpu.vector_load %arg9[%get3A_713] {strides = array<i32>} : memref<2048xf32, #tpu.memory_space<vmem>>, vector<16xf32>,
        %mul3A_715 = arith.mulf %gather3A_76, %get3A_714 : vector<16xf32>
        %get3A_716 = arith.index_cast %add3A_712 : i32 to index
        %get3A_717 = tpu.vector_load %arg10[%get3A_716] {strides = array<i32>} : memref<2048xf32, #tpu.memory_space<vmem>>, vector<16xf32>,
        %mul3A_718 = arith.mulf %gather3A_77, %get3A_717 : vector<16xf32>
        %add3A_719 = arith.addf %mul3A_715, %mul3A_718 : vector<16xf32>
        %get3A_720 = arith.index_cast %add3A_712 : i32 to index
        %get3A_721 = tpu.vector_load %arg11[%get3A_720] {strides = array<i32>} : memref<2048xf32, #tpu.memory_space<vmem>>, vector<16xf32>,
        %mul3A_722 = arith.mulf %gather3A_78, %get3A_721 : vector<16xf32>
        %get3A_723 = arith.index_cast %add3A_712 : i32 to index
        %get3A_724 = tpu.vector_load %arg12[%get3A_723] {strides = array<i32>} : memref<2048xf32, #tpu.memory_space<vmem>>, vector<16xf32>,
        %mul3A_725 = arith.mulf %gather3A_79, %get3A_724 : vector<16xf32>
        %add3A_726 = arith.addf %mul3A_722, %mul3A_725 : vector<16xf32>
        %add3A_727 = arith.addf %add3A_719, %add3A_726 : vector<16xf32>
        %get3A_728 = arith.index_cast %add3A_712 : i32 to index
        %get3A_729 = tpu.vector_load %arg13[%get3A_728] {strides = array<i32>} : memref<2048xf32, #tpu.memory_space<vmem>>, vector<16xf32>,
        %add3A_730 = arith.addf %gather3A, %get3A_729 : vector<16xf32>
        %mul3A_731 = arith.constant 2.000000e+00 : f32
        %mul3A_732 = vector.broadcast %mul3A_731 : f32 to vector<16xf32>
        %mul3A_733 = arith.mulf %mul3A_732, %add3A_727 : vector<16xf32>
        %sub3A_734 = arith.subf %add3A_730, %mul3A_733 : vector<16xf32>
        %max3A = arith.constant 0.000000e+00 : f32
        %max3A_735 = vector.broadcast %max3A : f32 to vector<16xf32>
        %max3A_736 = arith.maximumf %sub3A_734, %max3A_735 : vector<16xf32>
        %swap3A_737 = arith.index_cast %add3A_712 : i32 to index
        %swap3A_738 = tpu.vector_load %arg14[%swap3A_737] {strides = array<i32>} : memref<2048xf32, #tpu.memory_space<vmem>>, vector<16xf32>,
        tpu.vector_store %arg14[%swap3A_737], %max3A_736 {strides = array<i32>} : memref<2048xf32, #tpu.memory_space<vmem>>, vector<16xf32>,
        %le3A_739 = arith.cmpf ole, %max3A_736, %broadcast_in_dim3A_81 : vector<16xf32>
        %all_reduce_population_count3A = tpu.all_reduce %le3A_739 {dim = 0 : i64, kind = #tpu.reduction_kind<sum>} : vector<16xi1> -> vector<16xi32>
        %add3A_740 = arith.addi %scan3A_708, %all_reduce_population_count3A : vector<16xi32>
        %mul3A_741 = arith.constant 64 : i32
        %mul3A_742 = arith.muli %scan3A_707, %mul3A_741 : i32
        %add3A_743 = arith.constant 16 : i32
        %add3A_744 = arith.addi %mul3A_742, %add3A_743 : i32
        %get3A_745 = arith.index_cast %add3A_744 : i32 to index
        %get3A_746 = tpu.vector_load %arg9[%get3A_745] {strides = array<i32>} : memref<2048xf32, #tpu.memory_space<vmem>>, vector<16xf32>,
        %mul3A_747 = arith.mulf %gather3A_76, %get3A_746 : vector<16xf32>
        %get3A_748 = arith.index_cast %add3A_744 : i32 to index
        %get3A_749 = tpu.vector_load %arg10[%get3A_748] {strides = array<i32>} : memref<2048xf32, #tpu.memory_space<vmem>>, vector<16xf32>,
        %mul3A_750 = arith.mulf %gather3A_77, %get3A_749 : vector<16xf32>
        %add3A_751 = arith.addf %mul3A_747, %mul3A_750 : vector<16xf32>
        %get3A_752 = arith.index_cast %add3A_744 : i32 to index
        %get3A_753 = tpu.vector_load %arg11[%get3A_752] {strides = array<i32>} : memref<2048xf32, #tpu.memory_space<vmem>>, vector<16xf32>,
        %mul3A_754 = arith.mulf %gather3A_78, %get3A_753 : vector<16xf32>
        %get3A_755 = arith.index_cast %add3A_744 : i32 to index
        %get3A_756 = tpu.vector_load %arg12[%get3A_755] {strides = array<i32>} : memref<2048xf32, #tpu.memory_space<vmem>>, vector<16xf32>,
        %mul3A_757 = arith.mulf %gather3A_79, %get3A_756 : vector<16xf32>
        %add3A_758 = arith.addf %mul3A_754, %mul3A_757 : vector<16xf32>
        %add3A_759 = arith.addf %add3A_751, %add3A_758 : vector<16xf32>
        %get3A_760 = arith.index_cast %add3A_744 : i32 to index
        %get3A_761 = tpu.vector_load %arg13[%get3A_760] {strides = array<i32>} : memref<2048xf32, #tpu.memory_space<vmem>>, vector<16xf32>,
        %add3A_762 = arith.addf %gather3A, %get3A_761 : vector<16xf32>
        %mul3A_763 = arith.constant 2.000000e+00 : f32
        %mul3A_764 = vector.broadcast %mul3A_763 : f32 to vector<16xf32>
        %mul3A_765 = arith.mulf %mul3A_764, %add3A_759 : vector<16xf32>
        %sub3A_766 = arith.subf %add3A_762, %mul3A_765 : vector<16xf32>
        %max3A_767 = arith.constant 0.000000e+00 : f32
        %max3A_768 = vector.broadcast %max3A_767 : f32 to vector<16xf32>
        %max3A_769 = arith.maximumf %sub3A_766, %max3A_768 : vector<16xf32>
        %swap3A_770 = arith.index_cast %add3A_744 : i32 to index
        %swap3A_771 = tpu.vector_load %arg14[%swap3A_770] {strides = array<i32>} : memref<2048xf32, #tpu.memory_space<vmem>>, vector<16xf32>,
        tpu.vector_store %arg14[%swap3A_770], %max3A_769 {strides = array<i32>} : memref<2048xf32, #tpu.memory_space<vmem>>, vector<16xf32>,
        %le3A_772 = arith.cmpf ole, %max3A_769, %broadcast_in_dim3A_81 : vector<16xf32>
        %all_reduce_population_count3A_773 = tpu.all_reduce %le3A_772 {dim = 0 : i64, kind = #tpu.reduction_kind<sum>} : vector<16xi1> -> vector<16xi32>
        %add3A_774 = arith.addi %add3A_740, %all_reduce_population_count3A_773 : vector<16xi32>
        %mul3A_775 = arith.constant 64 : i32
        %mul3A_776 = arith.muli %scan3A_707, %mul3A_775 : i32
        %add3A_777 = arith.constant 32 : i32
        %add3A_778 = arith.addi %mul3A_776, %add3A_777 : i32
        %get3A_779 = arith.index_cast %add3A_778 : i32 to index
        %get3A_780 = tpu.vector_load %arg9[%get3A_779] {strides = array<i32>} : memref<2048xf32, #tpu.memory_space<vmem>>, vector<16xf32>,
        %mul3A_781 = arith.mulf %gather3A_76, %get3A_780 : vector<16xf32>
        %get3A_782 = arith.index_cast %add3A_778 : i32 to index
        %get3A_783 = tpu.vector_load %arg10[%get3A_782] {strides = array<i32>} : memref<2048xf32, #tpu.memory_space<vmem>>, vector<16xf32>,
        %mul3A_784 = arith.mulf %gather3A_77, %get3A_783 : vector<16xf32>
        %add3A_785 = arith.addf %mul3A_781, %mul3A_784 : vector<16xf32>
        %get3A_786 = arith.index_cast %add3A_778 : i32 to index
        %get3A_787 = tpu.vector_load %arg11[%get3A_786] {strides = array<i32>} : memref<2048xf32, #tpu.memory_space<vmem>>, vector<16xf32>,
        %mul3A_788 = arith.mulf %gather3A_78, %get3A_787 : vector<16xf32>
        %get3A_789 = arith.index_cast %add3A_778 : i32 to index
        %get3A_790 = tpu.vector_load %arg12[%get3A_789] {strides = array<i32>} : memref<2048xf32, #tpu.memory_space<vmem>>, vector<16xf32>,
        %mul3A_791 = arith.mulf %gather3A_79, %get3A_790 : vector<16xf32>
        %add3A_792 = arith.addf %mul3A_788, %mul3A_791 : vector<16xf32>
        %add3A_793 = arith.addf %add3A_785, %add3A_792 : vector<16xf32>
        %get3A_794 = arith.index_cast %add3A_778 : i32 to index
        %get3A_795 = tpu.vector_load %arg13[%get3A_794] {strides = array<i32>} : memref<2048xf32, #tpu.memory_space<vmem>>, vector<16xf32>,
        %add3A_796 = arith.addf %gather3A, %get3A_795 : vector<16xf32>
        %mul3A_797 = arith.constant 2.000000e+00 : f32
        %mul3A_798 = vector.broadcast %mul3A_797 : f32 to vector<16xf32>
        %mul3A_799 = arith.mulf %mul3A_798, %add3A_793 : vector<16xf32>
        %sub3A_800 = arith.subf %add3A_796, %mul3A_799 : vector<16xf32>
        %max3A_801 = arith.constant 0.000000e+00 : f32
        %max3A_802 = vector.broadcast %max3A_801 : f32 to vector<16xf32>
        %max3A_803 = arith.maximumf %sub3A_800, %max3A_802 : vector<16xf32>
        %swap3A_804 = arith.index_cast %add3A_778 : i32 to index
        %swap3A_805 = tpu.vector_load %arg14[%swap3A_804] {strides = array<i32>} : memref<2048xf32, #tpu.memory_space<vmem>>, vector<16xf32>,
        tpu.vector_store %arg14[%swap3A_804], %max3A_803 {strides = array<i32>} : memref<2048xf32, #tpu.memory_space<vmem>>, vector<16xf32>,
        %le3A_806 = arith.cmpf ole, %max3A_803, %broadcast_in_dim3A_81 : vector<16xf32>
        %all_reduce_population_count3A_807 = tpu.all_reduce %le3A_806 {dim = 0 : i64, kind = #tpu.reduction_kind<sum>} : vector<16xi1> -> vector<16xi32>
        %add3A_808 = arith.addi %add3A_774, %all_reduce_population_count3A_807 : vector<16xi32>
        %mul3A_809 = arith.constant 64 : i32
        %mul3A_810 = arith.muli %scan3A_707, %mul3A_809 : i32
        %add3A_811 = arith.constant 48 : i32
        %add3A_812 = arith.addi %mul3A_810, %add3A_811 : i32
        %get3A_813 = arith.index_cast %add3A_812 : i32 to index
        %get3A_814 = tpu.vector_load %arg9[%get3A_813] {strides = array<i32>} : memref<2048xf32, #tpu.memory_space<vmem>>, vector<16xf32>,
        %mul3A_815 = arith.mulf %gather3A_76, %get3A_814 : vector<16xf32>
        %get3A_816 = arith.index_cast %add3A_812 : i32 to index
        %get3A_817 = tpu.vector_load %arg10[%get3A_816] {strides = array<i32>} : memref<2048xf32, #tpu.memory_space<vmem>>, vector<16xf32>,
        %mul3A_818 = arith.mulf %gather3A_77, %get3A_817 : vector<16xf32>
        %add3A_819 = arith.addf %mul3A_815, %mul3A_818 : vector<16xf32>
        %get3A_820 = arith.index_cast %add3A_812 : i32 to index
        %get3A_821 = tpu.vector_load %arg11[%get3A_820] {strides = array<i32>} : memref<2048xf32, #tpu.memory_space<vmem>>, vector<16xf32>,
        %mul3A_822 = arith.mulf %gather3A_78, %get3A_821 : vector<16xf32>
        %get3A_823 = arith.index_cast %add3A_812 : i32 to index
        %get3A_824 = tpu.vector_load %arg12[%get3A_823] {strides = array<i32>} : memref<2048xf32, #tpu.memory_space<vmem>>, vector<16xf32>,
        %mul3A_825 = arith.mulf %gather3A_79, %get3A_824 : vector<16xf32>
        %add3A_826 = arith.addf %mul3A_822, %mul3A_825 : vector<16xf32>
        %add3A_827 = arith.addf %add3A_819, %add3A_826 : vector<16xf32>
        %get3A_828 = arith.index_cast %add3A_812 : i32 to index
        %get3A_829 = tpu.vector_load %arg13[%get3A_828] {strides = array<i32>} : memref<2048xf32, #tpu.memory_space<vmem>>, vector<16xf32>,
        %add3A_830 = arith.addf %gather3A, %get3A_829 : vector<16xf32>
        %mul3A_831 = arith.constant 2.000000e+00 : f32
        %mul3A_832 = vector.broadcast %mul3A_831 : f32 to vector<16xf32>
        %mul3A_833 = arith.mulf %mul3A_832, %add3A_827 : vector<16xf32>
        %sub3A_834 = arith.subf %add3A_830, %mul3A_833 : vector<16xf32>
        %max3A_835 = arith.constant 0.000000e+00 : f32
        %max3A_836 = vector.broadcast %max3A_835 : f32 to vector<16xf32>
        %max3A_837 = arith.maximumf %sub3A_834, %max3A_836 : vector<16xf32>
        %swap3A_838 = arith.index_cast %add3A_812 : i32 to index
        %swap3A_839 = tpu.vector_load %arg14[%swap3A_838] {strides = array<i32>} : memref<2048xf32, #tpu.memory_space<vmem>>, vector<16xf32>,
        tpu.vector_store %arg14[%swap3A_838], %max3A_837 {strides = array<i32>} : memref<2048xf32, #tpu.memory_space<vmem>>, vector<16xf32>,
        %le3A_840 = arith.cmpf ole, %max3A_837, %broadcast_in_dim3A_81 : vector<16xf32>
        %all_reduce_population_count3A_841 = tpu.all_reduce %le3A_840 {dim = 0 : i64, kind = #tpu.reduction_kind<sum>} : vector<16xi1> -> vector<16xi32>
        %add3A_842 = arith.addi %add3A_808, %all_reduce_population_count3A_841 : vector<16xi32>
        scf.yield %add3A_842 : vector<16xi32>
      }
      %scan3A_89 = arith.constant 32 : i32
      %reduce_max3A = arith.constant true
      %reduce_max3A_90 = vector.broadcast %reduce_max3A : i1 to vector<16xi1>
      %reduce_max3A_91 = arith.constant -2147483648 : i32
      %reduce_max3A_92 = vector.broadcast %reduce_max3A_91 : i32 to vector<16xi32>
      %reduce_max3A_93 = arith.xori %scan3A_88, %reduce_max3A_92 : vector<16xi32>
      %reduce_max3A_94 = tpu.scan <max>, %reduce_max3A_93 masked %reduce_max3A_90 : vector<16xi32>, vector<16xi1> -> vector<16xi32>
      %reduce_max3A_95 = arith.xori %reduce_max3A_94, %reduce_max3A_92 : vector<16xi32>
      %reduce_max3A_96 = vector.extract %reduce_max3A_95[15] : i32 from vector<16xi32>
      %broadcast_in_dim3A_97 = arith.constant 0.000000e+00 : f32
      %broadcast_in_dim3A_98 = vector.broadcast %broadcast_in_dim3A_97 : f32 to vector<16xf32>
      %broadcast_in_dim3A_99 = arith.constant 4.000000e+00 : f32
      %broadcast_in_dim3A_100 = vector.broadcast %broadcast_in_dim3A_99 : f32 to vector<16xf32>
      %while3A = arith.constant 0 : i32
      %while3A_101:5 = scf.while (%while3A_707 = %broadcast_in_dim3A_98, %while3A_708 = %broadcast_in_dim3A_100, %while3A_709 = %broadcast_in_dim3A_81, %while3A_710 = %reduce_max3A_96, %while3A_711 = %while3A) : (vector<16xf32>, vector<16xf32>, vector<16xf32>, i32, i32) -> (vector<16xf32>, vector<16xf32>, vector<16xf32>, i32, i32) {
        %lt3A_712 = arith.constant 65 : i32
        %lt3A_713 = arith.cmpi slt, %while3A_710, %lt3A_712 : i32
        %gt3A = arith.constant 128 : i32
        %gt3A_714 = arith.cmpi sgt, %while3A_710, %gt3A : i32
        %or3A_715 = arith.ori %lt3A_713, %gt3A_714 : i1
        %lt3A_716 = arith.constant 40 : i32
        %lt3A_717 = arith.cmpi slt, %while3A_711, %lt3A_716 : i32
        %and3A_718 = arith.andi %or3A_715, %lt3A_717 : i1
        scf.condition(%and3A_718) %while3A_707, %while3A_708, %while3A_709, %while3A_710, %while3A_711 : vector<16xf32>, vector<16xf32>, vector<16xf32>, i32, i32
      } do {
      ^bb0(%while3A_707: vector<16xf32>, %while3A_708: vector<16xf32>, %while3A_709: vector<16xf32>, %while3A_710: i32, %while3A_711: i32):
        %lt3A_712 = arith.constant 65 : i32
        %lt3A_713 = arith.cmpi slt, %while3A_710, %lt3A_712 : i32
        %select_n3A_714 = arith.select %lt3A_713, %while3A_709, %while3A_707 : vector<16xf32>
        %select_n3A_715 = arith.select %lt3A_713, %while3A_708, %while3A_709 : vector<16xf32>
        %add3A_716 = arith.addf %select_n3A_714, %select_n3A_715 : vector<16xf32>
        %mul3A_717 = arith.constant 5.000000e-01 : f32
        %mul3A_718 = vector.broadcast %mul3A_717 : f32 to vector<16xf32>
        %mul3A_719 = arith.mulf %mul3A_718, %add3A_716 : vector<16xf32>
        %broadcast_in_dim3A_720 = arith.constant 0 : i32
        %broadcast_in_dim3A_721 = vector.broadcast %broadcast_in_dim3A_720 : i32 to vector<16xi32>
        %scan3A_722 = arith.constant 0 : i32
        %scan3A_723 = arith.constant 32 : i32
        %scan3A_724 = arith.addi %scan3A_722, %scan3A_723 : i32
        %scan3A_725 = arith.constant 1 : i32
        %scan3A_726 = scf.for %scan3A_738 = %scan3A_722 to %scan3A_724 step %scan3A_725 iter_args(%scan3A_739 = %broadcast_in_dim3A_721) -> (vector<16xi32>)  : i32 {
          %mul3A_740 = arith.constant 64 : i32
          %mul3A_741 = arith.muli %scan3A_738, %mul3A_740 : i32
          %add3A_742 = arith.constant 0 : i32
          %add3A_743 = arith.addi %mul3A_741, %add3A_742 : i32
          %get3A_744 = arith.index_cast %add3A_743 : i32 to index
          %get3A_745 = tpu.vector_load %arg14[%get3A_744] {strides = array<i32>} : memref<2048xf32, #tpu.memory_space<vmem>>, vector<16xf32>,
          %le3A_746 = arith.cmpf ole, %get3A_745, %mul3A_719 : vector<16xf32>
          %all_reduce_population_count3A = tpu.all_reduce %le3A_746 {dim = 0 : i64, kind = #tpu.reduction_kind<sum>} : vector<16xi1> -> vector<16xi32>
          %add3A_747 = arith.addi %scan3A_739, %all_reduce_population_count3A : vector<16xi32>
          %mul3A_748 = arith.constant 64 : i32
          %mul3A_749 = arith.muli %scan3A_738, %mul3A_748 : i32
          %add3A_750 = arith.constant 16 : i32
          %add3A_751 = arith.addi %mul3A_749, %add3A_750 : i32
          %get3A_752 = arith.index_cast %add3A_751 : i32 to index
          %get3A_753 = tpu.vector_load %arg14[%get3A_752] {strides = array<i32>} : memref<2048xf32, #tpu.memory_space<vmem>>, vector<16xf32>,
          %le3A_754 = arith.cmpf ole, %get3A_753, %mul3A_719 : vector<16xf32>
          %all_reduce_population_count3A_755 = tpu.all_reduce %le3A_754 {dim = 0 : i64, kind = #tpu.reduction_kind<sum>} : vector<16xi1> -> vector<16xi32>
          %add3A_756 = arith.addi %add3A_747, %all_reduce_population_count3A_755 : vector<16xi32>
          %mul3A_757 = arith.constant 64 : i32
          %mul3A_758 = arith.muli %scan3A_738, %mul3A_757 : i32
          %add3A_759 = arith.constant 32 : i32
          %add3A_760 = arith.addi %mul3A_758, %add3A_759 : i32
          %get3A_761 = arith.index_cast %add3A_760 : i32 to index
          %get3A_762 = tpu.vector_load %arg14[%get3A_761] {strides = array<i32>} : memref<2048xf32, #tpu.memory_space<vmem>>, vector<16xf32>,
          %le3A_763 = arith.cmpf ole, %get3A_762, %mul3A_719 : vector<16xf32>
          %all_reduce_population_count3A_764 = tpu.all_reduce %le3A_763 {dim = 0 : i64, kind = #tpu.reduction_kind<sum>} : vector<16xi1> -> vector<16xi32>
          %add3A_765 = arith.addi %add3A_756, %all_reduce_population_count3A_764 : vector<16xi32>
          %mul3A_766 = arith.constant 64 : i32
          %mul3A_767 = arith.muli %scan3A_738, %mul3A_766 : i32
          %add3A_768 = arith.constant 48 : i32
          %add3A_769 = arith.addi %mul3A_767, %add3A_768 : i32
          %get3A_770 = arith.index_cast %add3A_769 : i32 to index
          %get3A_771 = tpu.vector_load %arg14[%get3A_770] {strides = array<i32>} : memref<2048xf32, #tpu.memory_space<vmem>>, vector<16xf32>,
          %le3A_772 = arith.cmpf ole, %get3A_771, %mul3A_719 : vector<16xf32>
          %all_reduce_population_count3A_773 = tpu.all_reduce %le3A_772 {dim = 0 : i64, kind = #tpu.reduction_kind<sum>} : vector<16xi1> -> vector<16xi32>
          %add3A_774 = arith.addi %add3A_765, %all_reduce_population_count3A_773 : vector<16xi32>
          scf.yield %add3A_774 : vector<16xi32>
        }
        %scan3A_727 = arith.constant 32 : i32
        %reduce_max3A_728 = arith.constant true
        %reduce_max3A_729 = vector.broadcast %reduce_max3A_728 : i1 to vector<16xi1>
        %reduce_max3A_730 = arith.constant -2147483648 : i32
        %reduce_max3A_731 = vector.broadcast %reduce_max3A_730 : i32 to vector<16xi32>
        %reduce_max3A_732 = arith.xori %scan3A_726, %reduce_max3A_731 : vector<16xi32>
        %reduce_max3A_733 = tpu.scan <max>, %reduce_max3A_732 masked %reduce_max3A_729 : vector<16xi32>, vector<16xi1> -> vector<16xi32>
        %reduce_max3A_734 = arith.xori %reduce_max3A_733, %reduce_max3A_731 : vector<16xi32>
        %reduce_max3A_735 = vector.extract %reduce_max3A_734[15] : i32 from vector<16xi32>
        %add3A_736 = arith.constant 1 : i32
        %add3A_737 = arith.addi %while3A_711, %add3A_736 : i32
        scf.yield %select_n3A_714, %select_n3A_715, %mul3A_719, %reduce_max3A_735, %add3A_737 : vector<16xf32>, vector<16xf32>, vector<16xf32>, i32, i32
      }
      %swap3A = arith.constant 0 : index
      %swap3A_102 = tpu.vector_load %arg16[%swap3A] {strides = array<i32>} : memref<144xf32, #tpu.memory_space<vmem>>, vector<16xf32>,
      tpu.vector_store %arg16[%swap3A], %broadcast_in_dim3A_52 {strides = array<i32>} : memref<144xf32, #tpu.memory_space<vmem>>, vector<16xf32>,
      %swap3A_103 = arith.constant 0 : index
      %swap3A_104 = tpu.vector_load %arg17[%swap3A_103] {strides = array<i32>} : memref<144xi32, #tpu.memory_space<vmem>>, vector<16xi32>,
      tpu.vector_store %arg17[%swap3A_103], %broadcast_in_dim3A_54 {strides = array<i32>} : memref<144xi32, #tpu.memory_space<vmem>>, vector<16xi32>,
      %swap3A_105 = arith.constant 16 : index
      %swap3A_106 = tpu.vector_load %arg16[%swap3A_105] {strides = array<i32>} : memref<144xf32, #tpu.memory_space<vmem>>, vector<16xf32>,
      tpu.vector_store %arg16[%swap3A_105], %broadcast_in_dim3A_52 {strides = array<i32>} : memref<144xf32, #tpu.memory_space<vmem>>, vector<16xf32>,
      %swap3A_107 = arith.constant 16 : index
      %swap3A_108 = tpu.vector_load %arg17[%swap3A_107] {strides = array<i32>} : memref<144xi32, #tpu.memory_space<vmem>>, vector<16xi32>,
      tpu.vector_store %arg17[%swap3A_107], %broadcast_in_dim3A_54 {strides = array<i32>} : memref<144xi32, #tpu.memory_space<vmem>>, vector<16xi32>,
      %swap3A_109 = arith.constant 32 : index
      %swap3A_110 = tpu.vector_load %arg16[%swap3A_109] {strides = array<i32>} : memref<144xf32, #tpu.memory_space<vmem>>, vector<16xf32>,
      tpu.vector_store %arg16[%swap3A_109], %broadcast_in_dim3A_52 {strides = array<i32>} : memref<144xf32, #tpu.memory_space<vmem>>, vector<16xf32>,
      %swap3A_111 = arith.constant 32 : index
      %swap3A_112 = tpu.vector_load %arg17[%swap3A_111] {strides = array<i32>} : memref<144xi32, #tpu.memory_space<vmem>>, vector<16xi32>,
      tpu.vector_store %arg17[%swap3A_111], %broadcast_in_dim3A_54 {strides = array<i32>} : memref<144xi32, #tpu.memory_space<vmem>>, vector<16xi32>,
      %swap3A_113 = arith.constant 48 : index
      %swap3A_114 = tpu.vector_load %arg16[%swap3A_113] {strides = array<i32>} : memref<144xf32, #tpu.memory_space<vmem>>, vector<16xf32>,
      tpu.vector_store %arg16[%swap3A_113], %broadcast_in_dim3A_52 {strides = array<i32>} : memref<144xf32, #tpu.memory_space<vmem>>, vector<16xf32>,
      %swap3A_115 = arith.constant 48 : index
      %swap3A_116 = tpu.vector_load %arg17[%swap3A_115] {strides = array<i32>} : memref<144xi32, #tpu.memory_space<vmem>>, vector<16xi32>,
      tpu.vector_store %arg17[%swap3A_115], %broadcast_in_dim3A_54 {strides = array<i32>} : memref<144xi32, #tpu.memory_space<vmem>>, vector<16xi32>,
      %swap3A_117 = arith.constant 64 : index
      %swap3A_118 = tpu.vector_load %arg16[%swap3A_117] {strides = array<i32>} : memref<144xf32, #tpu.memory_space<vmem>>, vector<16xf32>,
      tpu.vector_store %arg16[%swap3A_117], %broadcast_in_dim3A_52 {strides = array<i32>} : memref<144xf32, #tpu.memory_space<vmem>>, vector<16xf32>,
      %swap3A_119 = arith.constant 64 : index
      %swap3A_120 = tpu.vector_load %arg17[%swap3A_119] {strides = array<i32>} : memref<144xi32, #tpu.memory_space<vmem>>, vector<16xi32>,
      tpu.vector_store %arg17[%swap3A_119], %broadcast_in_dim3A_54 {strides = array<i32>} : memref<144xi32, #tpu.memory_space<vmem>>, vector<16xi32>,
      %swap3A_121 = arith.constant 80 : index
      %swap3A_122 = tpu.vector_load %arg16[%swap3A_121] {strides = array<i32>} : memref<144xf32, #tpu.memory_space<vmem>>, vector<16xf32>,
      tpu.vector_store %arg16[%swap3A_121], %broadcast_in_dim3A_52 {strides = array<i32>} : memref<144xf32, #tpu.memory_space<vmem>>, vector<16xf32>,
      %swap3A_123 = arith.constant 80 : index
      %swap3A_124 = tpu.vector_load %arg17[%swap3A_123] {strides = array<i32>} : memref<144xi32, #tpu.memory_space<vmem>>, vector<16xi32>,
      tpu.vector_store %arg17[%swap3A_123], %broadcast_in_dim3A_54 {strides = array<i32>} : memref<144xi32, #tpu.memory_space<vmem>>, vector<16xi32>,
      %swap3A_125 = arith.constant 96 : index
      %swap3A_126 = tpu.vector_load %arg16[%swap3A_125] {strides = array<i32>} : memref<144xf32, #tpu.memory_space<vmem>>, vector<16xf32>,
      tpu.vector_store %arg16[%swap3A_125], %broadcast_in_dim3A_52 {strides = array<i32>} : memref<144xf32, #tpu.memory_space<vmem>>, vector<16xf32>,
      %swap3A_127 = arith.constant 96 : index
      %swap3A_128 = tpu.vector_load %arg17[%swap3A_127] {strides = array<i32>} : memref<144xi32, #tpu.memory_space<vmem>>, vector<16xi32>,
      tpu.vector_store %arg17[%swap3A_127], %broadcast_in_dim3A_54 {strides = array<i32>} : memref<144xi32, #tpu.memory_space<vmem>>, vector<16xi32>,
      %swap3A_129 = arith.constant 112 : index
      %swap3A_130 = tpu.vector_load %arg16[%swap3A_129] {strides = array<i32>} : memref<144xf32, #tpu.memory_space<vmem>>, vector<16xf32>,
      tpu.vector_store %arg16[%swap3A_129], %broadcast_in_dim3A_52 {strides = array<i32>} : memref<144xf32, #tpu.memory_space<vmem>>, vector<16xf32>,
      %swap3A_131 = arith.constant 112 : index
      %swap3A_132 = tpu.vector_load %arg17[%swap3A_131] {strides = array<i32>} : memref<144xi32, #tpu.memory_space<vmem>>, vector<16xi32>,
      tpu.vector_store %arg17[%swap3A_131], %broadcast_in_dim3A_54 {strides = array<i32>} : memref<144xi32, #tpu.memory_space<vmem>>, vector<16xi32>,
      %swap3A_133 = arith.constant 128 : index
      %swap3A_134 = tpu.vector_load %arg16[%swap3A_133] {strides = array<i32>} : memref<144xf32, #tpu.memory_space<vmem>>, vector<16xf32>,
      tpu.vector_store %arg16[%swap3A_133], %broadcast_in_dim3A_52 {strides = array<i32>} : memref<144xf32, #tpu.memory_space<vmem>>, vector<16xf32>,
      %swap3A_135 = arith.constant 128 : index
      %swap3A_136 = tpu.vector_load %arg17[%swap3A_135] {strides = array<i32>} : memref<144xi32, #tpu.memory_space<vmem>>, vector<16xi32>,
      tpu.vector_store %arg17[%swap3A_135], %broadcast_in_dim3A_54 {strides = array<i32>} : memref<144xi32, #tpu.memory_space<vmem>>, vector<16xi32>,
      %mul3A_137 = arith.constant 2048 : i32
      %mul3A_138 = arith.muli %select_n3A, %mul3A_137 : i32
      %broadcast_in_dim3A_139 = vector.broadcast %mul3A_138 : i32 to vector<16xi32>
      %add3A_140 = arith.addi %broadcast_in_dim3A_139, %iota3A : vector<16xi32>
      %scan3A_141 = arith.constant 0 : i32
      %scan3A_142 = arith.constant 0 : i32
      %scan3A_143 = arith.constant 64 : i32
      %scan3A_144 = arith.addi %scan3A_142, %scan3A_143 : i32
      %scan3A_145 = arith.constant 1 : i32
      %scan3A_146 = scf.for %scan3A_707 = %scan3A_142 to %scan3A_144 step %scan3A_145 iter_args(%scan3A_708 = %scan3A_141) -> (i32)  : i32 {
        %mul3A_709 = arith.constant 32 : i32
        %mul3A_710 = arith.muli %scan3A_707, %mul3A_709 : i32
        %add3A_711 = arith.constant 0 : i32
        %add3A_712 = arith.addi %mul3A_710, %add3A_711 : i32
        %get3A_713 = arith.index_cast %add3A_712 : i32 to index
        %get3A_714 = tpu.vector_load %arg14[%get3A_713] {strides = array<i32>} : memref<2048xf32, #tpu.memory_space<vmem>>, vector<16xf32>,
        %le3A_715 = arith.cmpf ole, %get3A_714, %while3A_101#2 : vector<16xf32>
        %min3A = arith.constant 128 : i32
        %min3A_716 = arith.minsi %scan3A_708, %min3A : i32
        %swap3A_717 = arith.index_cast %min3A_716 : i32 to index
        %swap3A_718 = tpu.vector_load %arg16[%swap3A_717] masked %le3A_715 {strides = array<i32>} : memref<144xf32, #tpu.memory_space<vmem>>, vector<16xf32>, vector<16xi1>
        tpu.vector_store %arg16[%swap3A_717], %get3A_714 masked %le3A_715 {strides = array<i32>} : memref<144xf32, #tpu.memory_space<vmem>>, vector<16xf32>, vector<16xi1>
        %mul3A_719 = arith.constant 32 : i32
        %mul3A_720 = arith.muli %scan3A_707, %mul3A_719 : i32
        %add3A_721 = arith.constant 0 : i32
        %add3A_722 = arith.addi %mul3A_720, %add3A_721 : i32
        %add3A_723 = vector.broadcast %add3A_722 : i32 to vector<16xi32>
        %add3A_724 = arith.addi %add3A_140, %add3A_723 : vector<16xi32>
        %swap3A_725 = arith.index_cast %min3A_716 : i32 to index
        %swap3A_726 = tpu.vector_load %arg17[%swap3A_725] masked %le3A_715 {strides = array<i32>} : memref<144xi32, #tpu.memory_space<vmem>>, vector<16xi32>, vector<16xi1>
        tpu.vector_store %arg17[%swap3A_725], %add3A_724 masked %le3A_715 {strides = array<i32>} : memref<144xi32, #tpu.memory_space<vmem>>, vector<16xi32>, vector<16xi1>
        %all_reduce_population_count3A = tpu.all_reduce %le3A_715 {dim = 0 : i64, kind = #tpu.reduction_kind<sum>} : vector<16xi1> -> vector<16xi32>
        %slice3A = vector.extract_strided_slice %all_reduce_population_count3A {offsets = [0], sizes = [1], strides = [1]} : vector<16xi32> to vector<1xi32>
        %squeeze3A = vector.extract %slice3A[0] : i32 from vector<1xi32>
        %add3A_727 = arith.addi %scan3A_708, %squeeze3A : i32
        %mul3A_728 = arith.constant 32 : i32
        %mul3A_729 = arith.muli %scan3A_707, %mul3A_728 : i32
        %add3A_730 = arith.constant 16 : i32
        %add3A_731 = arith.addi %mul3A_729, %add3A_730 : i32
        %get3A_732 = arith.index_cast %add3A_731 : i32 to index
        %get3A_733 = tpu.vector_load %arg14[%get3A_732] {strides = array<i32>} : memref<2048xf32, #tpu.memory_space<vmem>>, vector<16xf32>,
        %le3A_734 = arith.cmpf ole, %get3A_733, %while3A_101#2 : vector<16xf32>
        %min3A_735 = arith.constant 128 : i32
        %min3A_736 = arith.minsi %add3A_727, %min3A_735 : i32
        %swap3A_737 = arith.index_cast %min3A_736 : i32 to index
        %swap3A_738 = tpu.vector_load %arg16[%swap3A_737] masked %le3A_734 {strides = array<i32>} : memref<144xf32, #tpu.memory_space<vmem>>, vector<16xf32>, vector<16xi1>
        tpu.vector_store %arg16[%swap3A_737], %get3A_733 masked %le3A_734 {strides = array<i32>} : memref<144xf32, #tpu.memory_space<vmem>>, vector<16xf32>, vector<16xi1>
        %mul3A_739 = arith.constant 32 : i32
        %mul3A_740 = arith.muli %scan3A_707, %mul3A_739 : i32
        %add3A_741 = arith.constant 16 : i32
        %add3A_742 = arith.addi %mul3A_740, %add3A_741 : i32
        %add3A_743 = vector.broadcast %add3A_742 : i32 to vector<16xi32>
        %add3A_744 = arith.addi %add3A_140, %add3A_743 : vector<16xi32>
        %swap3A_745 = arith.index_cast %min3A_736 : i32 to index
        %swap3A_746 = tpu.vector_load %arg17[%swap3A_745] masked %le3A_734 {strides = array<i32>} : memref<144xi32, #tpu.memory_space<vmem>>, vector<16xi32>, vector<16xi1>
        tpu.vector_store %arg17[%swap3A_745], %add3A_744 masked %le3A_734 {strides = array<i32>} : memref<144xi32, #tpu.memory_space<vmem>>, vector<16xi32>, vector<16xi1>
        %all_reduce_population_count3A_747 = tpu.all_reduce %le3A_734 {dim = 0 : i64, kind = #tpu.reduction_kind<sum>} : vector<16xi1> -> vector<16xi32>
        %slice3A_748 = vector.extract_strided_slice %all_reduce_population_count3A_747 {offsets = [0], sizes = [1], strides = [1]} : vector<16xi32> to vector<1xi32>
        %squeeze3A_749 = vector.extract %slice3A_748[0] : i32 from vector<1xi32>
        %add3A_750 = arith.addi %add3A_727, %squeeze3A_749 : i32
        scf.yield %add3A_750 : i32
      }
      %scan3A_147 = arith.constant 64 : i32
      %get3A = arith.constant 0 : index
      %get3A_148 = tpu.vector_load %arg16[%get3A] {strides = array<i32>} : memref<144xf32, #tpu.memory_space<vmem>>, vector<16xf32>,
      %get3A_149 = arith.constant 0 : index
      %get3A_150 = tpu.vector_load %arg17[%get3A_149] {strides = array<i32>} : memref<144xi32, #tpu.memory_space<vmem>>, vector<16xi32>,
      %masked_sort3A = arith.constant dense<true> : vector<16xi1>
      %masked_sort3A_151, %masked_sort3A_152, %masked_sort3A_153 = tpu.sort %get3A_148, %get3A_150 masked %masked_sort3A : (vector<16xf32>, vector<16xi32>, vector<16xi1>) -> (vector<16xi1>, vector<16xf32>, vector<16xi32>)
      %get3A_154 = arith.constant 16 : index
      %get3A_155 = tpu.vector_load %arg16[%get3A_154] {strides = array<i32>} : memref<144xf32, #tpu.memory_space<vmem>>, vector<16xf32>,
      %get3A_156 = arith.constant 16 : index
      %get3A_157 = tpu.vector_load %arg17[%get3A_156] {strides = array<i32>} : memref<144xi32, #tpu.memory_space<vmem>>, vector<16xi32>,
      %masked_sort3A_158 = arith.constant dense<true> : vector<16xi1>
      %masked_sort3A_159, %masked_sort3A_160, %masked_sort3A_161 = tpu.sort %get3A_155, %get3A_157 masked %masked_sort3A_158 : (vector<16xf32>, vector<16xi32>, vector<16xi1>) -> (vector<16xi1>, vector<16xf32>, vector<16xi32>)
      %get3A_162 = arith.constant 32 : index
      %get3A_163 = tpu.vector_load %arg16[%get3A_162] {strides = array<i32>} : memref<144xf32, #tpu.memory_space<vmem>>, vector<16xf32>,
      %get3A_164 = arith.constant 32 : index
      %get3A_165 = tpu.vector_load %arg17[%get3A_164] {strides = array<i32>} : memref<144xi32, #tpu.memory_space<vmem>>, vector<16xi32>,
      %masked_sort3A_166 = arith.constant dense<true> : vector<16xi1>
      %masked_sort3A_167, %masked_sort3A_168, %masked_sort3A_169 = tpu.sort %get3A_163, %get3A_165 masked %masked_sort3A_166 : (vector<16xf32>, vector<16xi32>, vector<16xi1>) -> (vector<16xi1>, vector<16xf32>, vector<16xi32>)
      %get3A_170 = arith.constant 48 : index
      %get3A_171 = tpu.vector_load %arg16[%get3A_170] {strides = array<i32>} : memref<144xf32, #tpu.memory_space<vmem>>, vector<16xf32>,
      %get3A_172 = arith.constant 48 : index
      %get3A_173 = tpu.vector_load %arg17[%get3A_172] {strides = array<i32>} : memref<144xi32, #tpu.memory_space<vmem>>, vector<16xi32>,
      %masked_sort3A_174 = arith.constant dense<true> : vector<16xi1>
      %masked_sort3A_175, %masked_sort3A_176, %masked_sort3A_177 = tpu.sort %get3A_171, %get3A_173 masked %masked_sort3A_174 : (vector<16xf32>, vector<16xi32>, vector<16xi1>) -> (vector<16xi1>, vector<16xf32>, vector<16xi32>)
      %get3A_178 = arith.constant 64 : index
      %get3A_179 = tpu.vector_load %arg16[%get3A_178] {strides = array<i32>} : memref<144xf32, #tpu.memory_space<vmem>>, vector<16xf32>,
      %get3A_180 = arith.constant 64 : index
      %get3A_181 = tpu.vector_load %arg17[%get3A_180] {strides = array<i32>} : memref<144xi32, #tpu.memory_space<vmem>>, vector<16xi32>,
      %masked_sort3A_182 = arith.constant dense<true> : vector<16xi1>
      %masked_sort3A_183, %masked_sort3A_184, %masked_sort3A_185 = tpu.sort %get3A_179, %get3A_181 masked %masked_sort3A_182 : (vector<16xf32>, vector<16xi32>, vector<16xi1>) -> (vector<16xi1>, vector<16xf32>, vector<16xi32>)
      %get3A_186 = arith.constant 80 : index
      %get3A_187 = tpu.vector_load %arg16[%get3A_186] {strides = array<i32>} : memref<144xf32, #tpu.memory_space<vmem>>, vector<16xf32>,
      %get3A_188 = arith.constant 80 : index
      %get3A_189 = tpu.vector_load %arg17[%get3A_188] {strides = array<i32>} : memref<144xi32, #tpu.memory_space<vmem>>, vector<16xi32>,
      %masked_sort3A_190 = arith.constant dense<true> : vector<16xi1>
      %masked_sort3A_191, %masked_sort3A_192, %masked_sort3A_193 = tpu.sort %get3A_187, %get3A_189 masked %masked_sort3A_190 : (vector<16xf32>, vector<16xi32>, vector<16xi1>) -> (vector<16xi1>, vector<16xf32>, vector<16xi32>)
      %get3A_194 = arith.constant 96 : index
      %get3A_195 = tpu.vector_load %arg16[%get3A_194] {strides = array<i32>} : memref<144xf32, #tpu.memory_space<vmem>>, vector<16xf32>,
      %get3A_196 = arith.constant 96 : index
      %get3A_197 = tpu.vector_load %arg17[%get3A_196] {strides = array<i32>} : memref<144xi32, #tpu.memory_space<vmem>>, vector<16xi32>,
      %masked_sort3A_198 = arith.constant dense<true> : vector<16xi1>
      %masked_sort3A_199, %masked_sort3A_200, %masked_sort3A_201 = tpu.sort %get3A_195, %get3A_197 masked %masked_sort3A_198 : (vector<16xf32>, vector<16xi32>, vector<16xi1>) -> (vector<16xi1>, vector<16xf32>, vector<16xi32>)
      %get3A_202 = arith.constant 112 : index
      %get3A_203 = tpu.vector_load %arg16[%get3A_202] {strides = array<i32>} : memref<144xf32, #tpu.memory_space<vmem>>, vector<16xf32>,
      %get3A_204 = arith.constant 112 : index
      %get3A_205 = tpu.vector_load %arg17[%get3A_204] {strides = array<i32>} : memref<144xi32, #tpu.memory_space<vmem>>, vector<16xi32>,
      %masked_sort3A_206 = arith.constant dense<true> : vector<16xi1>
      %masked_sort3A_207, %masked_sort3A_208, %masked_sort3A_209 = tpu.sort %get3A_203, %get3A_205 masked %masked_sort3A_206 : (vector<16xf32>, vector<16xi32>, vector<16xi1>) -> (vector<16xi1>, vector<16xf32>, vector<16xi32>)
      %rev3A = arith.constant 15 : i32
      %rev3A_210 = vector.broadcast %rev3A : i32 to vector<16xi32>
      %rev3A_211 = tpu.iota {dimensions = array<i32: 0>} : vector<16xi32>
      %rev3A_212 = arith.subi %rev3A_210, %rev3A_211 : vector<16xi32>
      %rev3A_213 = tpu.dynamic_gather %masked_sort3A_160[%rev3A_212] in [0] : vector<16xf32>, vector<16xi32> -> vector<16xf32>
      %rev3A_214 = arith.constant 15 : i32
      %rev3A_215 = vector.broadcast %rev3A_214 : i32 to vector<16xi32>
      %rev3A_216 = tpu.iota {dimensions = array<i32: 0>} : vector<16xi32>
      %rev3A_217 = arith.subi %rev3A_215, %rev3A_216 : vector<16xi32>
      %rev3A_218 = tpu.dynamic_gather %masked_sort3A_161[%rev3A_217] in [0] : vector<16xi32>, vector<16xi32> -> vector<16xi32>
      %lt3A_219 = arith.cmpf olt, %masked_sort3A_152, %rev3A_213 : vector<16xf32>
      %eq3A_220 = arith.cmpf oeq, %masked_sort3A_152, %rev3A_213 : vector<16xf32>
      %lt3A_221 = arith.cmpi slt, %masked_sort3A_153, %rev3A_218 : vector<16xi32>
      %and3A_222 = arith.andi %eq3A_220, %lt3A_221 : vector<16xi1>
      %or3A = arith.ori %lt3A_219, %and3A_222 : vector<16xi1>
      %select_n3A_223 = arith.select %or3A, %masked_sort3A_152, %rev3A_213 : vector<16xi1>, vector<16xf32>
      %select_n3A_224 = arith.select %or3A, %masked_sort3A_153, %rev3A_218 : vector<16xi1>, vector<16xi32>
      %select_n3A_225 = arith.select %or3A, %rev3A_213, %masked_sort3A_152 : vector<16xi1>, vector<16xf32>
      %select_n3A_226 = arith.select %or3A, %rev3A_218, %masked_sort3A_153 : vector<16xi1>, vector<16xi32>
      %masked_sort3A_227 = arith.constant dense<true> : vector<16xi1>
      %masked_sort3A_228, %masked_sort3A_229, %masked_sort3A_230 = tpu.sort %select_n3A_223, %select_n3A_224 masked %masked_sort3A_227 : (vector<16xf32>, vector<16xi32>, vector<16xi1>) -> (vector<16xi1>, vector<16xf32>, vector<16xi32>)
      %masked_sort3A_231 = arith.constant dense<true> : vector<16xi1>
      %masked_sort3A_232, %masked_sort3A_233, %masked_sort3A_234 = tpu.sort %select_n3A_225, %select_n3A_226 masked %masked_sort3A_231 : (vector<16xf32>, vector<16xi32>, vector<16xi1>) -> (vector<16xi1>, vector<16xf32>, vector<16xi32>)
      %rev3A_235 = arith.constant 15 : i32
      %rev3A_236 = vector.broadcast %rev3A_235 : i32 to vector<16xi32>
      %rev3A_237 = tpu.iota {dimensions = array<i32: 0>} : vector<16xi32>
      %rev3A_238 = arith.subi %rev3A_236, %rev3A_237 : vector<16xi32>
      %rev3A_239 = tpu.dynamic_gather %masked_sort3A_176[%rev3A_238] in [0] : vector<16xf32>, vector<16xi32> -> vector<16xf32>
      %rev3A_240 = arith.constant 15 : i32
      %rev3A_241 = vector.broadcast %rev3A_240 : i32 to vector<16xi32>
      %rev3A_242 = tpu.iota {dimensions = array<i32: 0>} : vector<16xi32>
      %rev3A_243 = arith.subi %rev3A_241, %rev3A_242 : vector<16xi32>
      %rev3A_244 = tpu.dynamic_gather %masked_sort3A_177[%rev3A_243] in [0] : vector<16xi32>, vector<16xi32> -> vector<16xi32>
      %lt3A_245 = arith.cmpf olt, %masked_sort3A_168, %rev3A_239 : vector<16xf32>
      %eq3A_246 = arith.cmpf oeq, %masked_sort3A_168, %rev3A_239 : vector<16xf32>
      %lt3A_247 = arith.cmpi slt, %masked_sort3A_169, %rev3A_244 : vector<16xi32>
      %and3A_248 = arith.andi %eq3A_246, %lt3A_247 : vector<16xi1>
      %or3A_249 = arith.ori %lt3A_245, %and3A_248 : vector<16xi1>
      %select_n3A_250 = arith.select %or3A_249, %masked_sort3A_168, %rev3A_239 : vector<16xi1>, vector<16xf32>
      %select_n3A_251 = arith.select %or3A_249, %masked_sort3A_169, %rev3A_244 : vector<16xi1>, vector<16xi32>
      %select_n3A_252 = arith.select %or3A_249, %rev3A_239, %masked_sort3A_168 : vector<16xi1>, vector<16xf32>
      %select_n3A_253 = arith.select %or3A_249, %rev3A_244, %masked_sort3A_169 : vector<16xi1>, vector<16xi32>
      %masked_sort3A_254 = arith.constant dense<true> : vector<16xi1>
      %masked_sort3A_255, %masked_sort3A_256, %masked_sort3A_257 = tpu.sort %select_n3A_250, %select_n3A_251 masked %masked_sort3A_254 : (vector<16xf32>, vector<16xi32>, vector<16xi1>) -> (vector<16xi1>, vector<16xf32>, vector<16xi32>)
      %masked_sort3A_258 = arith.constant dense<true> : vector<16xi1>
      %masked_sort3A_259, %masked_sort3A_260, %masked_sort3A_261 = tpu.sort %select_n3A_252, %select_n3A_253 masked %masked_sort3A_258 : (vector<16xf32>, vector<16xi32>, vector<16xi1>) -> (vector<16xi1>, vector<16xf32>, vector<16xi32>)
      %rev3A_262 = arith.constant 15 : i32
      %rev3A_263 = vector.broadcast %rev3A_262 : i32 to vector<16xi32>
      %rev3A_264 = tpu.iota {dimensions = array<i32: 0>} : vector<16xi32>
      %rev3A_265 = arith.subi %rev3A_263, %rev3A_264 : vector<16xi32>
      %rev3A_266 = tpu.dynamic_gather %masked_sort3A_192[%rev3A_265] in [0] : vector<16xf32>, vector<16xi32> -> vector<16xf32>
      %rev3A_267 = arith.constant 15 : i32
      %rev3A_268 = vector.broadcast %rev3A_267 : i32 to vector<16xi32>
      %rev3A_269 = tpu.iota {dimensions = array<i32: 0>} : vector<16xi32>
      %rev3A_270 = arith.subi %rev3A_268, %rev3A_269 : vector<16xi32>
      %rev3A_271 = tpu.dynamic_gather %masked_sort3A_193[%rev3A_270] in [0] : vector<16xi32>, vector<16xi32> -> vector<16xi32>
      %lt3A_272 = arith.cmpf olt, %masked_sort3A_184, %rev3A_266 : vector<16xf32>
      %eq3A_273 = arith.cmpf oeq, %masked_sort3A_184, %rev3A_266 : vector<16xf32>
      %lt3A_274 = arith.cmpi slt, %masked_sort3A_185, %rev3A_271 : vector<16xi32>
      %and3A_275 = arith.andi %eq3A_273, %lt3A_274 : vector<16xi1>
      %or3A_276 = arith.ori %lt3A_272, %and3A_275 : vector<16xi1>
      %select_n3A_277 = arith.select %or3A_276, %masked_sort3A_184, %rev3A_266 : vector<16xi1>, vector<16xf32>
      %select_n3A_278 = arith.select %or3A_276, %masked_sort3A_185, %rev3A_271 : vector<16xi1>, vector<16xi32>
      %select_n3A_279 = arith.select %or3A_276, %rev3A_266, %masked_sort3A_184 : vector<16xi1>, vector<16xf32>
      %select_n3A_280 = arith.select %or3A_276, %rev3A_271, %masked_sort3A_185 : vector<16xi1>, vector<16xi32>
      %masked_sort3A_281 = arith.constant dense<true> : vector<16xi1>
      %masked_sort3A_282, %masked_sort3A_283, %masked_sort3A_284 = tpu.sort %select_n3A_277, %select_n3A_278 masked %masked_sort3A_281 : (vector<16xf32>, vector<16xi32>, vector<16xi1>) -> (vector<16xi1>, vector<16xf32>, vector<16xi32>)
      %masked_sort3A_285 = arith.constant dense<true> : vector<16xi1>
      %masked_sort3A_286, %masked_sort3A_287, %masked_sort3A_288 = tpu.sort %select_n3A_279, %select_n3A_280 masked %masked_sort3A_285 : (vector<16xf32>, vector<16xi32>, vector<16xi1>) -> (vector<16xi1>, vector<16xf32>, vector<16xi32>)
      %rev3A_289 = arith.constant 15 : i32
      %rev3A_290 = vector.broadcast %rev3A_289 : i32 to vector<16xi32>
      %rev3A_291 = tpu.iota {dimensions = array<i32: 0>} : vector<16xi32>
      %rev3A_292 = arith.subi %rev3A_290, %rev3A_291 : vector<16xi32>
      %rev3A_293 = tpu.dynamic_gather %masked_sort3A_208[%rev3A_292] in [0] : vector<16xf32>, vector<16xi32> -> vector<16xf32>
      %rev3A_294 = arith.constant 15 : i32
      %rev3A_295 = vector.broadcast %rev3A_294 : i32 to vector<16xi32>
      %rev3A_296 = tpu.iota {dimensions = array<i32: 0>} : vector<16xi32>
      %rev3A_297 = arith.subi %rev3A_295, %rev3A_296 : vector<16xi32>
      %rev3A_298 = tpu.dynamic_gather %masked_sort3A_209[%rev3A_297] in [0] : vector<16xi32>, vector<16xi32> -> vector<16xi32>
      %lt3A_299 = arith.cmpf olt, %masked_sort3A_200, %rev3A_293 : vector<16xf32>
      %eq3A_300 = arith.cmpf oeq, %masked_sort3A_200, %rev3A_293 : vector<16xf32>
      %lt3A_301 = arith.cmpi slt, %masked_sort3A_201, %rev3A_298 : vector<16xi32>
      %and3A_302 = arith.andi %eq3A_300, %lt3A_301 : vector<16xi1>
      %or3A_303 = arith.ori %lt3A_299, %and3A_302 : vector<16xi1>
      %select_n3A_304 = arith.select %or3A_303, %masked_sort3A_200, %rev3A_293 : vector<16xi1>, vector<16xf32>
      %select_n3A_305 = arith.select %or3A_303, %masked_sort3A_201, %rev3A_298 : vector<16xi1>, vector<16xi32>
      %select_n3A_306 = arith.select %or3A_303, %rev3A_293, %masked_sort3A_200 : vector<16xi1>, vector<16xf32>
      %select_n3A_307 = arith.select %or3A_303, %rev3A_298, %masked_sort3A_201 : vector<16xi1>, vector<16xi32>
      %masked_sort3A_308 = arith.constant dense<true> : vector<16xi1>
      %masked_sort3A_309, %masked_sort3A_310, %masked_sort3A_311 = tpu.sort %select_n3A_304, %select_n3A_305 masked %masked_sort3A_308 : (vector<16xf32>, vector<16xi32>, vector<16xi1>) -> (vector<16xi1>, vector<16xf32>, vector<16xi32>)
      %masked_sort3A_312 = arith.constant dense<true> : vector<16xi1>
      %masked_sort3A_313, %masked_sort3A_314, %masked_sort3A_315 = tpu.sort %select_n3A_306, %select_n3A_307 masked %masked_sort3A_312 : (vector<16xf32>, vector<16xi32>, vector<16xi1>) -> (vector<16xi1>, vector<16xf32>, vector<16xi32>)
      %rev3A_316 = arith.constant 15 : i32
      %rev3A_317 = vector.broadcast %rev3A_316 : i32 to vector<16xi32>
      %rev3A_318 = tpu.iota {dimensions = array<i32: 0>} : vector<16xi32>
      %rev3A_319 = arith.subi %rev3A_317, %rev3A_318 : vector<16xi32>
      %rev3A_320 = tpu.dynamic_gather %masked_sort3A_260[%rev3A_319] in [0] : vector<16xf32>, vector<16xi32> -> vector<16xf32>
      %rev3A_321 = arith.constant 15 : i32
      %rev3A_322 = vector.broadcast %rev3A_321 : i32 to vector<16xi32>
      %rev3A_323 = tpu.iota {dimensions = array<i32: 0>} : vector<16xi32>
      %rev3A_324 = arith.subi %rev3A_322, %rev3A_323 : vector<16xi32>
      %rev3A_325 = tpu.dynamic_gather %masked_sort3A_261[%rev3A_324] in [0] : vector<16xi32>, vector<16xi32> -> vector<16xi32>
      %lt3A_326 = arith.cmpf olt, %masked_sort3A_229, %rev3A_320 : vector<16xf32>
      %eq3A_327 = arith.cmpf oeq, %masked_sort3A_229, %rev3A_320 : vector<16xf32>
      %lt3A_328 = arith.cmpi slt, %masked_sort3A_230, %rev3A_325 : vector<16xi32>
      %and3A_329 = arith.andi %eq3A_327, %lt3A_328 : vector<16xi1>
      %or3A_330 = arith.ori %lt3A_326, %and3A_329 : vector<16xi1>
      %select_n3A_331 = arith.select %or3A_330, %masked_sort3A_229, %rev3A_320 : vector<16xi1>, vector<16xf32>
      %select_n3A_332 = arith.select %or3A_330, %masked_sort3A_230, %rev3A_325 : vector<16xi1>, vector<16xi32>
      %select_n3A_333 = arith.select %or3A_330, %rev3A_320, %masked_sort3A_229 : vector<16xi1>, vector<16xf32>
      %select_n3A_334 = arith.select %or3A_330, %rev3A_325, %masked_sort3A_230 : vector<16xi1>, vector<16xi32>
      %rev3A_335 = arith.constant 15 : i32
      %rev3A_336 = vector.broadcast %rev3A_335 : i32 to vector<16xi32>
      %rev3A_337 = tpu.iota {dimensions = array<i32: 0>} : vector<16xi32>
      %rev3A_338 = arith.subi %rev3A_336, %rev3A_337 : vector<16xi32>
      %rev3A_339 = tpu.dynamic_gather %masked_sort3A_256[%rev3A_338] in [0] : vector<16xf32>, vector<16xi32> -> vector<16xf32>
      %rev3A_340 = arith.constant 15 : i32
      %rev3A_341 = vector.broadcast %rev3A_340 : i32 to vector<16xi32>
      %rev3A_342 = tpu.iota {dimensions = array<i32: 0>} : vector<16xi32>
      %rev3A_343 = arith.subi %rev3A_341, %rev3A_342 : vector<16xi32>
      %rev3A_344 = tpu.dynamic_gather %masked_sort3A_257[%rev3A_343] in [0] : vector<16xi32>, vector<16xi32> -> vector<16xi32>
      %lt3A_345 = arith.cmpf olt, %masked_sort3A_233, %rev3A_339 : vector<16xf32>
      %eq3A_346 = arith.cmpf oeq, %masked_sort3A_233, %rev3A_339 : vector<16xf32>
      %lt3A_347 = arith.cmpi slt, %masked_sort3A_234, %rev3A_344 : vector<16xi32>
      %and3A_348 = arith.andi %eq3A_346, %lt3A_347 : vector<16xi1>
      %or3A_349 = arith.ori %lt3A_345, %and3A_348 : vector<16xi1>
      %select_n3A_350 = arith.select %or3A_349, %masked_sort3A_233, %rev3A_339 : vector<16xi1>, vector<16xf32>
      %select_n3A_351 = arith.select %or3A_349, %masked_sort3A_234, %rev3A_344 : vector<16xi1>, vector<16xi32>
      %select_n3A_352 = arith.select %or3A_349, %rev3A_339, %masked_sort3A_233 : vector<16xi1>, vector<16xf32>
      %select_n3A_353 = arith.select %or3A_349, %rev3A_344, %masked_sort3A_234 : vector<16xi1>, vector<16xi32>
      %lt3A_354 = arith.cmpf olt, %select_n3A_331, %select_n3A_350 : vector<16xf32>
      %eq3A_355 = arith.cmpf oeq, %select_n3A_331, %select_n3A_350 : vector<16xf32>
      %lt3A_356 = arith.cmpi slt, %select_n3A_332, %select_n3A_351 : vector<16xi32>
      %and3A_357 = arith.andi %eq3A_355, %lt3A_356 : vector<16xi1>
      %or3A_358 = arith.ori %lt3A_354, %and3A_357 : vector<16xi1>
      %select_n3A_359 = arith.select %or3A_358, %select_n3A_331, %select_n3A_350 : vector<16xi1>, vector<16xf32>
      %select_n3A_360 = arith.select %or3A_358, %select_n3A_332, %select_n3A_351 : vector<16xi1>, vector<16xi32>
      %select_n3A_361 = arith.select %or3A_358, %select_n3A_350, %select_n3A_331 : vector<16xi1>, vector<16xf32>
      %select_n3A_362 = arith.select %or3A_358, %select_n3A_351, %select_n3A_332 : vector<16xi1>, vector<16xi32>
      %masked_sort3A_363 = arith.constant dense<true> : vector<16xi1>
      %masked_sort3A_364, %masked_sort3A_365, %masked_sort3A_366 = tpu.sort %select_n3A_359, %select_n3A_360 masked %masked_sort3A_363 : (vector<16xf32>, vector<16xi32>, vector<16xi1>) -> (vector<16xi1>, vector<16xf32>, vector<16xi32>)
      %masked_sort3A_367 = arith.constant dense<true> : vector<16xi1>
      %masked_sort3A_368, %masked_sort3A_369, %masked_sort3A_370 = tpu.sort %select_n3A_361, %select_n3A_362 masked %masked_sort3A_367 : (vector<16xf32>, vector<16xi32>, vector<16xi1>) -> (vector<16xi1>, vector<16xf32>, vector<16xi32>)
      %lt3A_371 = arith.cmpf olt, %select_n3A_333, %select_n3A_352 : vector<16xf32>
      %eq3A_372 = arith.cmpf oeq, %select_n3A_333, %select_n3A_352 : vector<16xf32>
      %lt3A_373 = arith.cmpi slt, %select_n3A_334, %select_n3A_353 : vector<16xi32>
      %and3A_374 = arith.andi %eq3A_372, %lt3A_373 : vector<16xi1>
      %or3A_375 = arith.ori %lt3A_371, %and3A_374 : vector<16xi1>
      %select_n3A_376 = arith.select %or3A_375, %select_n3A_333, %select_n3A_352 : vector<16xi1>, vector<16xf32>
      %select_n3A_377 = arith.select %or3A_375, %select_n3A_334, %select_n3A_353 : vector<16xi1>, vector<16xi32>
      %select_n3A_378 = arith.select %or3A_375, %select_n3A_352, %select_n3A_333 : vector<16xi1>, vector<16xf32>
      %select_n3A_379 = arith.select %or3A_375, %select_n3A_353, %select_n3A_334 : vector<16xi1>, vector<16xi32>
      %masked_sort3A_380 = arith.constant dense<true> : vector<16xi1>
      %masked_sort3A_381, %masked_sort3A_382, %masked_sort3A_383 = tpu.sort %select_n3A_376, %select_n3A_377 masked %masked_sort3A_380 : (vector<16xf32>, vector<16xi32>, vector<16xi1>) -> (vector<16xi1>, vector<16xf32>, vector<16xi32>)
      %masked_sort3A_384 = arith.constant dense<true> : vector<16xi1>
      %masked_sort3A_385, %masked_sort3A_386, %masked_sort3A_387 = tpu.sort %select_n3A_378, %select_n3A_379 masked %masked_sort3A_384 : (vector<16xf32>, vector<16xi32>, vector<16xi1>) -> (vector<16xi1>, vector<16xf32>, vector<16xi32>)
      %rev3A_388 = arith.constant 15 : i32
      %rev3A_389 = vector.broadcast %rev3A_388 : i32 to vector<16xi32>
      %rev3A_390 = tpu.iota {dimensions = array<i32: 0>} : vector<16xi32>
      %rev3A_391 = arith.subi %rev3A_389, %rev3A_390 : vector<16xi32>
      %rev3A_392 = tpu.dynamic_gather %masked_sort3A_314[%rev3A_391] in [0] : vector<16xf32>, vector<16xi32> -> vector<16xf32>
      %rev3A_393 = arith.constant 15 : i32
      %rev3A_394 = vector.broadcast %rev3A_393 : i32 to vector<16xi32>
      %rev3A_395 = tpu.iota {dimensions = array<i32: 0>} : vector<16xi32>
      %rev3A_396 = arith.subi %rev3A_394, %rev3A_395 : vector<16xi32>
      %rev3A_397 = tpu.dynamic_gather %masked_sort3A_315[%rev3A_396] in [0] : vector<16xi32>, vector<16xi32> -> vector<16xi32>
      %lt3A_398 = arith.cmpf olt, %masked_sort3A_283, %rev3A_392 : vector<16xf32>
      %eq3A_399 = arith.cmpf oeq, %masked_sort3A_283, %rev3A_392 : vector<16xf32>
      %lt3A_400 = arith.cmpi slt, %masked_sort3A_284, %rev3A_397 : vector<16xi32>
      %and3A_401 = arith.andi %eq3A_399, %lt3A_400 : vector<16xi1>
      %or3A_402 = arith.ori %lt3A_398, %and3A_401 : vector<16xi1>
      %select_n3A_403 = arith.select %or3A_402, %masked_sort3A_283, %rev3A_392 : vector<16xi1>, vector<16xf32>
      %select_n3A_404 = arith.select %or3A_402, %masked_sort3A_284, %rev3A_397 : vector<16xi1>, vector<16xi32>
      %select_n3A_405 = arith.select %or3A_402, %rev3A_392, %masked_sort3A_283 : vector<16xi1>, vector<16xf32>
      %select_n3A_406 = arith.select %or3A_402, %rev3A_397, %masked_sort3A_284 : vector<16xi1>, vector<16xi32>
      %rev3A_407 = arith.constant 15 : i32
      %rev3A_408 = vector.broadcast %rev3A_407 : i32 to vector<16xi32>
      %rev3A_409 = tpu.iota {dimensions = array<i32: 0>} : vector<16xi32>
      %rev3A_410 = arith.subi %rev3A_408, %rev3A_409 : vector<16xi32>
      %rev3A_411 = tpu.dynamic_gather %masked_sort3A_310[%rev3A_410] in [0] : vector<16xf32>, vector<16xi32> -> vector<16xf32>
      %rev3A_412 = arith.constant 15 : i32
      %rev3A_413 = vector.broadcast %rev3A_412 : i32 to vector<16xi32>
      %rev3A_414 = tpu.iota {dimensions = array<i32: 0>} : vector<16xi32>
      %rev3A_415 = arith.subi %rev3A_413, %rev3A_414 : vector<16xi32>
      %rev3A_416 = tpu.dynamic_gather %masked_sort3A_311[%rev3A_415] in [0] : vector<16xi32>, vector<16xi32> -> vector<16xi32>
      %lt3A_417 = arith.cmpf olt, %masked_sort3A_287, %rev3A_411 : vector<16xf32>
      %eq3A_418 = arith.cmpf oeq, %masked_sort3A_287, %rev3A_411 : vector<16xf32>
      %lt3A_419 = arith.cmpi slt, %masked_sort3A_288, %rev3A_416 : vector<16xi32>
      %and3A_420 = arith.andi %eq3A_418, %lt3A_419 : vector<16xi1>
      %or3A_421 = arith.ori %lt3A_417, %and3A_420 : vector<16xi1>
      %select_n3A_422 = arith.select %or3A_421, %masked_sort3A_287, %rev3A_411 : vector<16xi1>, vector<16xf32>
      %select_n3A_423 = arith.select %or3A_421, %masked_sort3A_288, %rev3A_416 : vector<16xi1>, vector<16xi32>
      %select_n3A_424 = arith.select %or3A_421, %rev3A_411, %masked_sort3A_287 : vector<16xi1>, vector<16xf32>
      %select_n3A_425 = arith.select %or3A_421, %rev3A_416, %masked_sort3A_288 : vector<16xi1>, vector<16xi32>
      %lt3A_426 = arith.cmpf olt, %select_n3A_403, %select_n3A_422 : vector<16xf32>
      %eq3A_427 = arith.cmpf oeq, %select_n3A_403, %select_n3A_422 : vector<16xf32>
      %lt3A_428 = arith.cmpi slt, %select_n3A_404, %select_n3A_423 : vector<16xi32>
      %and3A_429 = arith.andi %eq3A_427, %lt3A_428 : vector<16xi1>
      %or3A_430 = arith.ori %lt3A_426, %and3A_429 : vector<16xi1>
      %select_n3A_431 = arith.select %or3A_430, %select_n3A_403, %select_n3A_422 : vector<16xi1>, vector<16xf32>
      %select_n3A_432 = arith.select %or3A_430, %select_n3A_404, %select_n3A_423 : vector<16xi1>, vector<16xi32>
      %select_n3A_433 = arith.select %or3A_430, %select_n3A_422, %select_n3A_403 : vector<16xi1>, vector<16xf32>
      %select_n3A_434 = arith.select %or3A_430, %select_n3A_423, %select_n3A_404 : vector<16xi1>, vector<16xi32>
      %masked_sort3A_435 = arith.constant dense<true> : vector<16xi1>
      %masked_sort3A_436, %masked_sort3A_437, %masked_sort3A_438 = tpu.sort %select_n3A_431, %select_n3A_432 masked %masked_sort3A_435 : (vector<16xf32>, vector<16xi32>, vector<16xi1>) -> (vector<16xi1>, vector<16xf32>, vector<16xi32>)
      %masked_sort3A_439 = arith.constant dense<true> : vector<16xi1>
      %masked_sort3A_440, %masked_sort3A_441, %masked_sort3A_442 = tpu.sort %select_n3A_433, %select_n3A_434 masked %masked_sort3A_439 : (vector<16xf32>, vector<16xi32>, vector<16xi1>) -> (vector<16xi1>, vector<16xf32>, vector<16xi32>)
      %lt3A_443 = arith.cmpf olt, %select_n3A_405, %select_n3A_424 : vector<16xf32>
      %eq3A_444 = arith.cmpf oeq, %select_n3A_405, %select_n3A_424 : vector<16xf32>
      %lt3A_445 = arith.cmpi slt, %select_n3A_406, %select_n3A_425 : vector<16xi32>
      %and3A_446 = arith.andi %eq3A_444, %lt3A_445 : vector<16xi1>
      %or3A_447 = arith.ori %lt3A_443, %and3A_446 : vector<16xi1>
      %select_n3A_448 = arith.select %or3A_447, %select_n3A_405, %select_n3A_424 : vector<16xi1>, vector<16xf32>
      %select_n3A_449 = arith.select %or3A_447, %select_n3A_406, %select_n3A_425 : vector<16xi1>, vector<16xi32>
      %select_n3A_450 = arith.select %or3A_447, %select_n3A_424, %select_n3A_405 : vector<16xi1>, vector<16xf32>
      %select_n3A_451 = arith.select %or3A_447, %select_n3A_425, %select_n3A_406 : vector<16xi1>, vector<16xi32>
      %masked_sort3A_452 = arith.constant dense<true> : vector<16xi1>
      %masked_sort3A_453, %masked_sort3A_454, %masked_sort3A_455 = tpu.sort %select_n3A_448, %select_n3A_449 masked %masked_sort3A_452 : (vector<16xf32>, vector<16xi32>, vector<16xi1>) -> (vector<16xi1>, vector<16xf32>, vector<16xi32>)
      %masked_sort3A_456 = arith.constant dense<true> : vector<16xi1>
      %masked_sort3A_457, %masked_sort3A_458, %masked_sort3A_459 = tpu.sort %select_n3A_450, %select_n3A_451 masked %masked_sort3A_456 : (vector<16xf32>, vector<16xi32>, vector<16xi1>) -> (vector<16xi1>, vector<16xf32>, vector<16xi32>)
      %rev3A_460 = arith.constant 15 : i32
      %rev3A_461 = vector.broadcast %rev3A_460 : i32 to vector<16xi32>
      %rev3A_462 = tpu.iota {dimensions = array<i32: 0>} : vector<16xi32>
      %rev3A_463 = arith.subi %rev3A_461, %rev3A_462 : vector<16xi32>
      %rev3A_464 = tpu.dynamic_gather %masked_sort3A_458[%rev3A_463] in [0] : vector<16xf32>, vector<16xi32> -> vector<16xf32>
      %rev3A_465 = arith.constant 15 : i32
      %rev3A_466 = vector.broadcast %rev3A_465 : i32 to vector<16xi32>
      %rev3A_467 = tpu.iota {dimensions = array<i32: 0>} : vector<16xi32>
      %rev3A_468 = arith.subi %rev3A_466, %rev3A_467 : vector<16xi32>
      %rev3A_469 = tpu.dynamic_gather %masked_sort3A_459[%rev3A_468] in [0] : vector<16xi32>, vector<16xi32> -> vector<16xi32>
      %lt3A_470 = arith.cmpf olt, %masked_sort3A_365, %rev3A_464 : vector<16xf32>
      %eq3A_471 = arith.cmpf oeq, %masked_sort3A_365, %rev3A_464 : vector<16xf32>
      %lt3A_472 = arith.cmpi slt, %masked_sort3A_366, %rev3A_469 : vector<16xi32>
      %and3A_473 = arith.andi %eq3A_471, %lt3A_472 : vector<16xi1>
      %or3A_474 = arith.ori %lt3A_470, %and3A_473 : vector<16xi1>
      %select_n3A_475 = arith.select %or3A_474, %masked_sort3A_365, %rev3A_464 : vector<16xi1>, vector<16xf32>
      %select_n3A_476 = arith.select %or3A_474, %masked_sort3A_366, %rev3A_469 : vector<16xi1>, vector<16xi32>
      %select_n3A_477 = arith.select %or3A_474, %rev3A_464, %masked_sort3A_365 : vector<16xi1>, vector<16xf32>
      %select_n3A_478 = arith.select %or3A_474, %rev3A_469, %masked_sort3A_366 : vector<16xi1>, vector<16xi32>
      %rev3A_479 = arith.constant 15 : i32
      %rev3A_480 = vector.broadcast %rev3A_479 : i32 to vector<16xi32>
      %rev3A_481 = tpu.iota {dimensions = array<i32: 0>} : vector<16xi32>
      %rev3A_482 = arith.subi %rev3A_480, %rev3A_481 : vector<16xi32>
      %rev3A_483 = tpu.dynamic_gather %masked_sort3A_454[%rev3A_482] in [0] : vector<16xf32>, vector<16xi32> -> vector<16xf32>
      %rev3A_484 = arith.constant 15 : i32
      %rev3A_485 = vector.broadcast %rev3A_484 : i32 to vector<16xi32>
      %rev3A_486 = tpu.iota {dimensions = array<i32: 0>} : vector<16xi32>
      %rev3A_487 = arith.subi %rev3A_485, %rev3A_486 : vector<16xi32>
      %rev3A_488 = tpu.dynamic_gather %masked_sort3A_455[%rev3A_487] in [0] : vector<16xi32>, vector<16xi32> -> vector<16xi32>
      %lt3A_489 = arith.cmpf olt, %masked_sort3A_369, %rev3A_483 : vector<16xf32>
      %eq3A_490 = arith.cmpf oeq, %masked_sort3A_369, %rev3A_483 : vector<16xf32>
      %lt3A_491 = arith.cmpi slt, %masked_sort3A_370, %rev3A_488 : vector<16xi32>
      %and3A_492 = arith.andi %eq3A_490, %lt3A_491 : vector<16xi1>
      %or3A_493 = arith.ori %lt3A_489, %and3A_492 : vector<16xi1>
      %select_n3A_494 = arith.select %or3A_493, %masked_sort3A_369, %rev3A_483 : vector<16xi1>, vector<16xf32>
      %select_n3A_495 = arith.select %or3A_493, %masked_sort3A_370, %rev3A_488 : vector<16xi1>, vector<16xi32>
      %select_n3A_496 = arith.select %or3A_493, %rev3A_483, %masked_sort3A_369 : vector<16xi1>, vector<16xf32>
      %select_n3A_497 = arith.select %or3A_493, %rev3A_488, %masked_sort3A_370 : vector<16xi1>, vector<16xi32>
      %rev3A_498 = arith.constant 15 : i32
      %rev3A_499 = vector.broadcast %rev3A_498 : i32 to vector<16xi32>
      %rev3A_500 = tpu.iota {dimensions = array<i32: 0>} : vector<16xi32>
      %rev3A_501 = arith.subi %rev3A_499, %rev3A_500 : vector<16xi32>
      %rev3A_502 = tpu.dynamic_gather %masked_sort3A_441[%rev3A_501] in [0] : vector<16xf32>, vector<16xi32> -> vector<16xf32>
      %rev3A_503 = arith.constant 15 : i32
      %rev3A_504 = vector.broadcast %rev3A_503 : i32 to vector<16xi32>
      %rev3A_505 = tpu.iota {dimensions = array<i32: 0>} : vector<16xi32>
      %rev3A_506 = arith.subi %rev3A_504, %rev3A_505 : vector<16xi32>
      %rev3A_507 = tpu.dynamic_gather %masked_sort3A_442[%rev3A_506] in [0] : vector<16xi32>, vector<16xi32> -> vector<16xi32>
      %lt3A_508 = arith.cmpf olt, %masked_sort3A_382, %rev3A_502 : vector<16xf32>
      %eq3A_509 = arith.cmpf oeq, %masked_sort3A_382, %rev3A_502 : vector<16xf32>
      %lt3A_510 = arith.cmpi slt, %masked_sort3A_383, %rev3A_507 : vector<16xi32>
      %and3A_511 = arith.andi %eq3A_509, %lt3A_510 : vector<16xi1>
      %or3A_512 = arith.ori %lt3A_508, %and3A_511 : vector<16xi1>
      %select_n3A_513 = arith.select %or3A_512, %masked_sort3A_382, %rev3A_502 : vector<16xi1>, vector<16xf32>
      %select_n3A_514 = arith.select %or3A_512, %masked_sort3A_383, %rev3A_507 : vector<16xi1>, vector<16xi32>
      %select_n3A_515 = arith.select %or3A_512, %rev3A_502, %masked_sort3A_382 : vector<16xi1>, vector<16xf32>
      %select_n3A_516 = arith.select %or3A_512, %rev3A_507, %masked_sort3A_383 : vector<16xi1>, vector<16xi32>
      %rev3A_517 = arith.constant 15 : i32
      %rev3A_518 = vector.broadcast %rev3A_517 : i32 to vector<16xi32>
      %rev3A_519 = tpu.iota {dimensions = array<i32: 0>} : vector<16xi32>
      %rev3A_520 = arith.subi %rev3A_518, %rev3A_519 : vector<16xi32>
      %rev3A_521 = tpu.dynamic_gather %masked_sort3A_437[%rev3A_520] in [0] : vector<16xf32>, vector<16xi32> -> vector<16xf32>
      %rev3A_522 = arith.constant 15 : i32
      %rev3A_523 = vector.broadcast %rev3A_522 : i32 to vector<16xi32>
      %rev3A_524 = tpu.iota {dimensions = array<i32: 0>} : vector<16xi32>
      %rev3A_525 = arith.subi %rev3A_523, %rev3A_524 : vector<16xi32>
      %rev3A_526 = tpu.dynamic_gather %masked_sort3A_438[%rev3A_525] in [0] : vector<16xi32>, vector<16xi32> -> vector<16xi32>
      %lt3A_527 = arith.cmpf olt, %masked_sort3A_386, %rev3A_521 : vector<16xf32>
      %eq3A_528 = arith.cmpf oeq, %masked_sort3A_386, %rev3A_521 : vector<16xf32>
      %lt3A_529 = arith.cmpi slt, %masked_sort3A_387, %rev3A_526 : vector<16xi32>
      %and3A_530 = arith.andi %eq3A_528, %lt3A_529 : vector<16xi1>
      %or3A_531 = arith.ori %lt3A_527, %and3A_530 : vector<16xi1>
      %select_n3A_532 = arith.select %or3A_531, %masked_sort3A_386, %rev3A_521 : vector<16xi1>, vector<16xf32>
      %select_n3A_533 = arith.select %or3A_531, %masked_sort3A_387, %rev3A_526 : vector<16xi1>, vector<16xi32>
      %select_n3A_534 = arith.select %or3A_531, %rev3A_521, %masked_sort3A_386 : vector<16xi1>, vector<16xf32>
      %select_n3A_535 = arith.select %or3A_531, %rev3A_526, %masked_sort3A_387 : vector<16xi1>, vector<16xi32>
      %lt3A_536 = arith.cmpf olt, %select_n3A_475, %select_n3A_513 : vector<16xf32>
      %eq3A_537 = arith.cmpf oeq, %select_n3A_475, %select_n3A_513 : vector<16xf32>
      %lt3A_538 = arith.cmpi slt, %select_n3A_476, %select_n3A_514 : vector<16xi32>
      %and3A_539 = arith.andi %eq3A_537, %lt3A_538 : vector<16xi1>
      %or3A_540 = arith.ori %lt3A_536, %and3A_539 : vector<16xi1>
      %select_n3A_541 = arith.select %or3A_540, %select_n3A_475, %select_n3A_513 : vector<16xi1>, vector<16xf32>
      %select_n3A_542 = arith.select %or3A_540, %select_n3A_476, %select_n3A_514 : vector<16xi1>, vector<16xi32>
      %select_n3A_543 = arith.select %or3A_540, %select_n3A_513, %select_n3A_475 : vector<16xi1>, vector<16xf32>
      %select_n3A_544 = arith.select %or3A_540, %select_n3A_514, %select_n3A_476 : vector<16xi1>, vector<16xi32>
      %lt3A_545 = arith.cmpf olt, %select_n3A_494, %select_n3A_532 : vector<16xf32>
      %eq3A_546 = arith.cmpf oeq, %select_n3A_494, %select_n3A_532 : vector<16xf32>
      %lt3A_547 = arith.cmpi slt, %select_n3A_495, %select_n3A_533 : vector<16xi32>
      %and3A_548 = arith.andi %eq3A_546, %lt3A_547 : vector<16xi1>
      %or3A_549 = arith.ori %lt3A_545, %and3A_548 : vector<16xi1>
      %select_n3A_550 = arith.select %or3A_549, %select_n3A_494, %select_n3A_532 : vector<16xi1>, vector<16xf32>
      %select_n3A_551 = arith.select %or3A_549, %select_n3A_495, %select_n3A_533 : vector<16xi1>, vector<16xi32>
      %select_n3A_552 = arith.select %or3A_549, %select_n3A_532, %select_n3A_494 : vector<16xi1>, vector<16xf32>
      %select_n3A_553 = arith.select %or3A_549, %select_n3A_533, %select_n3A_495 : vector<16xi1>, vector<16xi32>
      %lt3A_554 = arith.cmpf olt, %select_n3A_541, %select_n3A_550 : vector<16xf32>
      %eq3A_555 = arith.cmpf oeq, %select_n3A_541, %select_n3A_550 : vector<16xf32>
      %lt3A_556 = arith.cmpi slt, %select_n3A_542, %select_n3A_551 : vector<16xi32>
      %and3A_557 = arith.andi %eq3A_555, %lt3A_556 : vector<16xi1>
      %or3A_558 = arith.ori %lt3A_554, %and3A_557 : vector<16xi1>
      %select_n3A_559 = arith.select %or3A_558, %select_n3A_541, %select_n3A_550 : vector<16xi1>, vector<16xf32>
      %select_n3A_560 = arith.select %or3A_558, %select_n3A_542, %select_n3A_551 : vector<16xi1>, vector<16xi32>
      %select_n3A_561 = arith.select %or3A_558, %select_n3A_550, %select_n3A_541 : vector<16xi1>, vector<16xf32>
      %select_n3A_562 = arith.select %or3A_558, %select_n3A_551, %select_n3A_542 : vector<16xi1>, vector<16xi32>
      %masked_sort3A_563 = arith.constant dense<true> : vector<16xi1>
      %masked_sort3A_564, %masked_sort3A_565, %masked_sort3A_566 = tpu.sort %select_n3A_559, %select_n3A_560 masked %masked_sort3A_563 : (vector<16xf32>, vector<16xi32>, vector<16xi1>) -> (vector<16xi1>, vector<16xf32>, vector<16xi32>)
      %masked_sort3A_567 = arith.constant dense<true> : vector<16xi1>
      %masked_sort3A_568, %masked_sort3A_569, %masked_sort3A_570 = tpu.sort %select_n3A_561, %select_n3A_562 masked %masked_sort3A_567 : (vector<16xf32>, vector<16xi32>, vector<16xi1>) -> (vector<16xi1>, vector<16xf32>, vector<16xi32>)
      %lt3A_571 = arith.cmpf olt, %select_n3A_543, %select_n3A_552 : vector<16xf32>
      %eq3A_572 = arith.cmpf oeq, %select_n3A_543, %select_n3A_552 : vector<16xf32>
      %lt3A_573 = arith.cmpi slt, %select_n3A_544, %select_n3A_553 : vector<16xi32>
      %and3A_574 = arith.andi %eq3A_572, %lt3A_573 : vector<16xi1>
      %or3A_575 = arith.ori %lt3A_571, %and3A_574 : vector<16xi1>
      %select_n3A_576 = arith.select %or3A_575, %select_n3A_543, %select_n3A_552 : vector<16xi1>, vector<16xf32>
      %select_n3A_577 = arith.select %or3A_575, %select_n3A_544, %select_n3A_553 : vector<16xi1>, vector<16xi32>
      %select_n3A_578 = arith.select %or3A_575, %select_n3A_552, %select_n3A_543 : vector<16xi1>, vector<16xf32>
      %select_n3A_579 = arith.select %or3A_575, %select_n3A_553, %select_n3A_544 : vector<16xi1>, vector<16xi32>
      %masked_sort3A_580 = arith.constant dense<true> : vector<16xi1>
      %masked_sort3A_581, %masked_sort3A_582, %masked_sort3A_583 = tpu.sort %select_n3A_576, %select_n3A_577 masked %masked_sort3A_580 : (vector<16xf32>, vector<16xi32>, vector<16xi1>) -> (vector<16xi1>, vector<16xf32>, vector<16xi32>)
      %masked_sort3A_584 = arith.constant dense<true> : vector<16xi1>
      %masked_sort3A_585, %masked_sort3A_586, %masked_sort3A_587 = tpu.sort %select_n3A_578, %select_n3A_579 masked %masked_sort3A_584 : (vector<16xf32>, vector<16xi32>, vector<16xi1>) -> (vector<16xi1>, vector<16xf32>, vector<16xi32>)
      %lt3A_588 = arith.cmpf olt, %select_n3A_477, %select_n3A_515 : vector<16xf32>
      %eq3A_589 = arith.cmpf oeq, %select_n3A_477, %select_n3A_515 : vector<16xf32>
      %lt3A_590 = arith.cmpi slt, %select_n3A_478, %select_n3A_516 : vector<16xi32>
      %and3A_591 = arith.andi %eq3A_589, %lt3A_590 : vector<16xi1>
      %or3A_592 = arith.ori %lt3A_588, %and3A_591 : vector<16xi1>
      %select_n3A_593 = arith.select %or3A_592, %select_n3A_477, %select_n3A_515 : vector<16xi1>, vector<16xf32>
      %select_n3A_594 = arith.select %or3A_592, %select_n3A_478, %select_n3A_516 : vector<16xi1>, vector<16xi32>
      %select_n3A_595 = arith.select %or3A_592, %select_n3A_515, %select_n3A_477 : vector<16xi1>, vector<16xf32>
      %select_n3A_596 = arith.select %or3A_592, %select_n3A_516, %select_n3A_478 : vector<16xi1>, vector<16xi32>
      %lt3A_597 = arith.cmpf olt, %select_n3A_496, %select_n3A_534 : vector<16xf32>
      %eq3A_598 = arith.cmpf oeq, %select_n3A_496, %select_n3A_534 : vector<16xf32>
      %lt3A_599 = arith.cmpi slt, %select_n3A_497, %select_n3A_535 : vector<16xi32>
      %and3A_600 = arith.andi %eq3A_598, %lt3A_599 : vector<16xi1>
      %or3A_601 = arith.ori %lt3A_597, %and3A_600 : vector<16xi1>
      %select_n3A_602 = arith.select %or3A_601, %select_n3A_496, %select_n3A_534 : vector<16xi1>, vector<16xf32>
      %select_n3A_603 = arith.select %or3A_601, %select_n3A_497, %select_n3A_535 : vector<16xi1>, vector<16xi32>
      %select_n3A_604 = arith.select %or3A_601, %select_n3A_534, %select_n3A_496 : vector<16xi1>, vector<16xf32>
      %select_n3A_605 = arith.select %or3A_601, %select_n3A_535, %select_n3A_497 : vector<16xi1>, vector<16xi32>
      %lt3A_606 = arith.cmpf olt, %select_n3A_593, %select_n3A_602 : vector<16xf32>
      %eq3A_607 = arith.cmpf oeq, %select_n3A_593, %select_n3A_602 : vector<16xf32>
      %lt3A_608 = arith.cmpi slt, %select_n3A_594, %select_n3A_603 : vector<16xi32>
      %and3A_609 = arith.andi %eq3A_607, %lt3A_608 : vector<16xi1>
      %or3A_610 = arith.ori %lt3A_606, %and3A_609 : vector<16xi1>
      %select_n3A_611 = arith.select %or3A_610, %select_n3A_593, %select_n3A_602 : vector<16xi1>, vector<16xf32>
      %select_n3A_612 = arith.select %or3A_610, %select_n3A_594, %select_n3A_603 : vector<16xi1>, vector<16xi32>
      %select_n3A_613 = arith.select %or3A_610, %select_n3A_602, %select_n3A_593 : vector<16xi1>, vector<16xf32>
      %select_n3A_614 = arith.select %or3A_610, %select_n3A_603, %select_n3A_594 : vector<16xi1>, vector<16xi32>
      %masked_sort3A_615 = arith.constant dense<true> : vector<16xi1>
      %masked_sort3A_616, %masked_sort3A_617, %masked_sort3A_618 = tpu.sort %select_n3A_611, %select_n3A_612 masked %masked_sort3A_615 : (vector<16xf32>, vector<16xi32>, vector<16xi1>) -> (vector<16xi1>, vector<16xf32>, vector<16xi32>)
      %masked_sort3A_619 = arith.constant dense<true> : vector<16xi1>
      %masked_sort3A_620, %masked_sort3A_621, %masked_sort3A_622 = tpu.sort %select_n3A_613, %select_n3A_614 masked %masked_sort3A_619 : (vector<16xf32>, vector<16xi32>, vector<16xi1>) -> (vector<16xi1>, vector<16xf32>, vector<16xi32>)
      %lt3A_623 = arith.cmpf olt, %select_n3A_595, %select_n3A_604 : vector<16xf32>
      %eq3A_624 = arith.cmpf oeq, %select_n3A_595, %select_n3A_604 : vector<16xf32>
      %lt3A_625 = arith.cmpi slt, %select_n3A_596, %select_n3A_605 : vector<16xi32>
      %and3A_626 = arith.andi %eq3A_624, %lt3A_625 : vector<16xi1>
      %or3A_627 = arith.ori %lt3A_623, %and3A_626 : vector<16xi1>
      %select_n3A_628 = arith.select %or3A_627, %select_n3A_595, %select_n3A_604 : vector<16xi1>, vector<16xf32>
      %select_n3A_629 = arith.select %or3A_627, %select_n3A_596, %select_n3A_605 : vector<16xi1>, vector<16xi32>
      %select_n3A_630 = arith.select %or3A_627, %select_n3A_604, %select_n3A_595 : vector<16xi1>, vector<16xf32>
      %select_n3A_631 = arith.select %or3A_627, %select_n3A_605, %select_n3A_596 : vector<16xi1>, vector<16xi32>
      %masked_sort3A_632 = arith.constant dense<true> : vector<16xi1>
      %masked_sort3A_633, %masked_sort3A_634, %masked_sort3A_635 = tpu.sort %select_n3A_628, %select_n3A_629 masked %masked_sort3A_632 : (vector<16xf32>, vector<16xi32>, vector<16xi1>) -> (vector<16xi1>, vector<16xf32>, vector<16xi32>)
      %masked_sort3A_636 = arith.constant dense<true> : vector<16xi1>
      %masked_sort3A_637, %masked_sort3A_638, %masked_sort3A_639 = tpu.sort %select_n3A_630, %select_n3A_631 masked %masked_sort3A_636 : (vector<16xf32>, vector<16xi32>, vector<16xi1>) -> (vector<16xi1>, vector<16xf32>, vector<16xi32>)
      %mul3A_640 = arith.constant 65 : i32
      %mul3A_641 = arith.muli %scan3A_72, %mul3A_640 : i32
      %le3A = arith.constant 1.000000e+00 : f32
      %le3A_642 = vector.broadcast %le3A : f32 to vector<16xf32>
      %le3A_643 = arith.cmpf ole, %masked_sort3A_565, %le3A_642 : vector<16xf32>
      %jit3A_644 = arith.constant 0.000000e+00 : f32
      %broadcast_in_dim3A_645 = vector.broadcast %jit3A_644 : f32 to vector<16xf32>
      %select_n3A_646 = arith.select %le3A_643, %masked_sort3A_565, %broadcast_in_dim3A_645 : vector<16xi1>, vector<16xf32>
      %jit3A_647 = arith.constant -1 : i32
      %broadcast_in_dim3A_648 = vector.broadcast %jit3A_647 : i32 to vector<16xi32>
      %select_n3A_649 = arith.select %le3A_643, %masked_sort3A_566, %broadcast_in_dim3A_648 : vector<16xi1>, vector<16xi32>
      %add3A_650 = arith.constant 0 : i32
      %add3A_651 = arith.addi %mul3A_641, %add3A_650 : i32
      %broadcast_in_dim3A_652 = vector.broadcast %add3A_651 : i32 to vector<16xi32>
      %add3A_653 = arith.addi %broadcast_in_dim3A_652, %iota3A : vector<16xi32>
      tpu.vector_store_idx %arg19[%add3A_653], %select_n3A_646 : memref<33280xf32, #tpu.memory_space<vmem>>[vector<16xi32>], vector<16xf32>,
      tpu.vector_store_idx %arg18[%add3A_653], %select_n3A_649 : memref<33280xi32, #tpu.memory_space<vmem>>[vector<16xi32>], vector<16xi32>,
      %le3A_654 = arith.constant 1.000000e+00 : f32
      %le3A_655 = vector.broadcast %le3A_654 : f32 to vector<16xf32>
      %le3A_656 = arith.cmpf ole, %masked_sort3A_569, %le3A_655 : vector<16xf32>
      %jit3A_657 = arith.constant 0.000000e+00 : f32
      %broadcast_in_dim3A_658 = vector.broadcast %jit3A_657 : f32 to vector<16xf32>
      %select_n3A_659 = arith.select %le3A_656, %masked_sort3A_569, %broadcast_in_dim3A_658 : vector<16xi1>, vector<16xf32>
      %jit3A_660 = arith.constant -1 : i32
      %broadcast_in_dim3A_661 = vector.broadcast %jit3A_660 : i32 to vector<16xi32>
      %select_n3A_662 = arith.select %le3A_656, %masked_sort3A_570, %broadcast_in_dim3A_661 : vector<16xi1>, vector<16xi32>
      %add3A_663 = arith.constant 16 : i32
      %add3A_664 = arith.addi %mul3A_641, %add3A_663 : i32
      %broadcast_in_dim3A_665 = vector.broadcast %add3A_664 : i32 to vector<16xi32>
      %add3A_666 = arith.addi %broadcast_in_dim3A_665, %iota3A : vector<16xi32>
      tpu.vector_store_idx %arg19[%add3A_666], %select_n3A_659 : memref<33280xf32, #tpu.memory_space<vmem>>[vector<16xi32>], vector<16xf32>,
      tpu.vector_store_idx %arg18[%add3A_666], %select_n3A_662 : memref<33280xi32, #tpu.memory_space<vmem>>[vector<16xi32>], vector<16xi32>,
      %le3A_667 = arith.constant 1.000000e+00 : f32
      %le3A_668 = vector.broadcast %le3A_667 : f32 to vector<16xf32>
      %le3A_669 = arith.cmpf ole, %masked_sort3A_582, %le3A_668 : vector<16xf32>
      %jit3A_670 = arith.constant 0.000000e+00 : f32
      %broadcast_in_dim3A_671 = vector.broadcast %jit3A_670 : f32 to vector<16xf32>
      %select_n3A_672 = arith.select %le3A_669, %masked_sort3A_582, %broadcast_in_dim3A_671 : vector<16xi1>, vector<16xf32>
      %jit3A_673 = arith.constant -1 : i32
      %broadcast_in_dim3A_674 = vector.broadcast %jit3A_673 : i32 to vector<16xi32>
      %select_n3A_675 = arith.select %le3A_669, %masked_sort3A_583, %broadcast_in_dim3A_674 : vector<16xi1>, vector<16xi32>
      %add3A_676 = arith.constant 32 : i32
      %add3A_677 = arith.addi %mul3A_641, %add3A_676 : i32
      %broadcast_in_dim3A_678 = vector.broadcast %add3A_677 : i32 to vector<16xi32>
      %add3A_679 = arith.addi %broadcast_in_dim3A_678, %iota3A : vector<16xi32>
      tpu.vector_store_idx %arg19[%add3A_679], %select_n3A_672 : memref<33280xf32, #tpu.memory_space<vmem>>[vector<16xi32>], vector<16xf32>,
      tpu.vector_store_idx %arg18[%add3A_679], %select_n3A_675 : memref<33280xi32, #tpu.memory_space<vmem>>[vector<16xi32>], vector<16xi32>,
      %le3A_680 = arith.constant 1.000000e+00 : f32
      %le3A_681 = vector.broadcast %le3A_680 : f32 to vector<16xf32>
      %le3A_682 = arith.cmpf ole, %masked_sort3A_586, %le3A_681 : vector<16xf32>
      %jit3A_683 = arith.constant 0.000000e+00 : f32
      %broadcast_in_dim3A_684 = vector.broadcast %jit3A_683 : f32 to vector<16xf32>
      %select_n3A_685 = arith.select %le3A_682, %masked_sort3A_586, %broadcast_in_dim3A_684 : vector<16xi1>, vector<16xf32>
      %jit3A_686 = arith.constant -1 : i32
      %broadcast_in_dim3A_687 = vector.broadcast %jit3A_686 : i32 to vector<16xi32>
      %select_n3A_688 = arith.select %le3A_682, %masked_sort3A_587, %broadcast_in_dim3A_687 : vector<16xi1>, vector<16xi32>
      %add3A_689 = arith.constant 48 : i32
      %add3A_690 = arith.addi %mul3A_641, %add3A_689 : i32
      %broadcast_in_dim3A_691 = vector.broadcast %add3A_690 : i32 to vector<16xi32>
      %add3A_692 = arith.addi %broadcast_in_dim3A_691, %iota3A : vector<16xi32>
      tpu.vector_store_idx %arg19[%add3A_692], %select_n3A_685 : memref<33280xf32, #tpu.memory_space<vmem>>[vector<16xi32>], vector<16xf32>,
      tpu.vector_store_idx %arg18[%add3A_692], %select_n3A_688 : memref<33280xi32, #tpu.memory_space<vmem>>[vector<16xi32>], vector<16xi32>,
      %le3A_693 = arith.constant 1.000000e+00 : f32
      %le3A_694 = vector.broadcast %le3A_693 : f32 to vector<16xf32>
      %le3A_695 = arith.cmpf ole, %masked_sort3A_617, %le3A_694 : vector<16xf32>
      %jit3A_696 = arith.constant 0.000000e+00 : f32
      %broadcast_in_dim3A_697 = vector.broadcast %jit3A_696 : f32 to vector<16xf32>
      %select_n3A_698 = arith.select %le3A_695, %masked_sort3A_617, %broadcast_in_dim3A_697 : vector<16xi1>, vector<16xf32>
      %jit3A_699 = arith.constant -1 : i32
      %broadcast_in_dim3A_700 = vector.broadcast %jit3A_699 : i32 to vector<16xi32>
      %select_n3A_701 = arith.select %le3A_695, %masked_sort3A_618, %broadcast_in_dim3A_700 : vector<16xi1>, vector<16xi32>
      %add3A_702 = arith.constant 64 : i32
      %add3A_703 = arith.addi %mul3A_641, %add3A_702 : i32
      %broadcast_in_dim3A_704 = vector.broadcast %add3A_703 : i32 to vector<16xi32>
      %add3A_705 = arith.addi %broadcast_in_dim3A_704, %iota3A : vector<16xi32>
      tpu.vector_store_idx %arg19[%add3A_705], %select_n3A_698 masked %eq3A_51 : memref<33280xf32, #tpu.memory_space<vmem>>[vector<16xi32>], vector<16xf32>, vector<16xi1>
      tpu.vector_store_idx %arg18[%add3A_705], %select_n3A_701 masked %eq3A_51 : memref<33280xi32, #tpu.memory_space<vmem>>[vector<16xi32>], vector<16xi32>, vector<16xi1>
      %scan3A_706 = arith.constant 0 : i32
      scf.yield %scan3A_706 : i32
    }
    %scan3A_67 = arith.constant 512 : i32
    %mul3A_68 = arith.constant 33280 : i32
    %mul3A_69 = arith.muli %add3A, %mul3A_68 : i32
    "tpu.region"() ({
      %run_scoped3A = tpu.sem_alloc : memref<!tpu.dma_semaphore, #tpu.memory_space<semaphore_mem>>
      %dma_start3A = tpu.memref_slice %arg3[%mul3A_69] : memref<1064960xi32, #tpu.memory_space<hbm>> -> memref<33280xi32, #tpu.memory_space<hbm>>
      %dma_start3A_72 = tpu.memref_slice %arg3[%mul3A_69] : memref<1064960xi32, #tpu.memory_space<hbm>> -> memref<33280xi32, #tpu.memory_space<hbm>>
      tpu.enqueue_dma source(%arg18 : memref<33280xi32, #tpu.memory_space<vmem>>) target(%dma_start3A_72 : memref<33280xi32, #tpu.memory_space<hbm>>) target_semaphore(%run_scoped3A : memref<!tpu.dma_semaphore, #tpu.memory_space<semaphore_mem>>)
      %dma_wait3A = tpu.memref_slice %arg3[%mul3A_69] : memref<1064960xi32, #tpu.memory_space<hbm>> -> memref<33280xi32, #tpu.memory_space<hbm>>
      %dma_wait3A_73 = tpu.memref_slice %arg3[%mul3A_69] : memref<1064960xi32, #tpu.memory_space<hbm>> -> memref<33280xi32, #tpu.memory_space<hbm>>
      tpu.wait_dma2 semaphore(%run_scoped3A : memref<!tpu.dma_semaphore, #tpu.memory_space<semaphore_mem>>) src(%arg18 : memref<33280xi32, #tpu.memory_space<vmem>>) dst(%dma_wait3A_73 : memref<33280xi32, #tpu.memory_space<hbm>>)
      tpu.yield
    }) : () -> ()
    %mul3A_70 = arith.constant 33280 : i32
    %mul3A_71 = arith.muli %add3A, %mul3A_70 : i32
    "tpu.region"() ({
      %run_scoped3A = tpu.sem_alloc : memref<!tpu.dma_semaphore, #tpu.memory_space<semaphore_mem>>
      %dma_start3A = tpu.memref_slice %arg4[%mul3A_71] : memref<1064960xf32, #tpu.memory_space<hbm>> -> memref<33280xf32, #tpu.memory_space<hbm>>
      %dma_start3A_72 = tpu.memref_slice %arg4[%mul3A_71] : memref<1064960xf32, #tpu.memory_space<hbm>> -> memref<33280xf32, #tpu.memory_space<hbm>>
      tpu.enqueue_dma source(%arg19 : memref<33280xf32, #tpu.memory_space<vmem>>) target(%dma_start3A_72 : memref<33280xf32, #tpu.memory_space<hbm>>) target_semaphore(%run_scoped3A : memref<!tpu.dma_semaphore, #tpu.memory_space<semaphore_mem>>)
      %dma_wait3A = tpu.memref_slice %arg4[%mul3A_71] : memref<1064960xf32, #tpu.memory_space<hbm>> -> memref<33280xf32, #tpu.memory_space<hbm>>
      %dma_wait3A_73 = tpu.memref_slice %arg4[%mul3A_71] : memref<1064960xf32, #tpu.memory_space<hbm>> -> memref<33280xf32, #tpu.memory_space<hbm>>
      tpu.wait_dma2 semaphore(%run_scoped3A : memref<!tpu.dma_semaphore, #tpu.memory_space<semaphore_mem>>) src(%arg19 : memref<33280xf32, #tpu.memory_space<vmem>>) dst(%dma_wait3A_73 : memref<33280xf32, #tpu.memory_space<hbm>>)
      tpu.yield
    }) : () -> ()
    return
  }
}

</mosaic_0001>

<sc_bundles>
// kernel: kernel.3.cloned.1.call-start
scs
__scs_entry_jumppad:
0x0: {  	(pc) =	sbr.rel $0x88, $3  }
0x1: {  	(tag) =	ssettag $0x0;
	lr =	simm.s32 $0x1  }
0x2: {  	[smem:$0x3FA0] =	sst lr;
	_ =	strace $0xD0000000  }
0x3: {  	_ = 	snop  }
0x4: {  	_ = 	snop  }
0x5: {  	_ = 	snop  }
0x6: {  	_ = 	snop  }
0x7: {  	_ = 	snop  }
__scs_overlays_trampoline_lowered:
0x8: {  	[smem:$0x3FAF] =	sst s0  }
0x9: {  	[smem:$0x3FB0] =	sst s1  }
0xa: {  	[smem:$0x3FB1] =	sst s2  }
0xb: {  	[smem:$0x3FB2] =	sst s3  }
0xc: {  	[smem:$0x3FB3] =	sst s4  }
0xd: {  	[smem:$0x3FB4] =	sst s5  }
0xe: {  	[smem:$0x3FB5] =	sst s6  }
0xf: {  	[smem:$0x3FB6] =	sst s7  }
0x10: {  	[smem:$0x3FB7] =	sst s8  }
0x11: {  	[smem:$0x3FB8] =	sst s9;
	s0 =	simm.s32 @!p0 $0x0  }
0x12: {  	s1 =	sld [smem:$0x3F9E];
	s0 =	simm.s32 @p0 $0x1  }
0x13: {  	[smem:$0x3FB9] =	sst s0;
	s0 =	simm.s32 @!p1 $0x0  }
0x14: {  	s2 =	sld [smem:$0x3F9D];
	s0 =	simm.s32 @p1 $0x1  }
0x15: {  	[smem:$0x3FBA] =	sst s0;
	s0 =	simm.s32 @!p2 $0x0  }
0x16: {  	s3 =	sld [smem:$0x3FDB];
	s0 =	simm.s32 @p2 $0x1  }
0x17: {  	s4 =	simm.s32 $0x1BF5;
	[smem:$0x3FBC] =	sst s0  }
0x18: {  	s0 =	sld [smem:$0x3F9F];
	_ =	swait.ge [sflag:s4], $0x0  }
0x19: {  	s7 =	sld [smem:$0x3FA0]  }
0x1a: {  	s8 =	sadd.s32 $0xFFFFE003, lr  }
0x1b: {  	s9 =	sadd.s32 $0xFFFFFEF7, lr;
	s5 =	simm.s32 $0xFFFFFFFF;
	p2 =	slt.u32 s8, $0xFFFFF086  }
0x1c: {  	p1 =	slt.u32 s9, $0xF7A;
	s5 =	simm.s32 @!p2 $0x0  }
0x1d: {  	s5 =	simm.s32 @p1 $0x1;
	p0 =	seq.s32 s7, s2  }
0x1e: {  	s7 =	smul.u32 @!p0 $0xF7A, s2;
	p2 =	seq.s32 @!p0 s5, $0x0  }
0x1f: {  	s9 =	smul.u32 $0xF7A, s1;
	s8 =	simm.s32 @!p0 $0x1BF5;
	p2 =	por !p2, p0  }
0x20: {  	[sflag:s8] =	ssyncset.s32 @!p0 $0xFFFFF086;
	s6 =	sadd.s32 @!p0 s3, s7;
	s7 =	simm.s32 @!p0 $0x108  }
0x21: {  	s3 =	sadd.s32 s3, s9;
	s6 =	sadd.s32 @!p0 $0x88, s6;
	s7 =	simm.s32 @p2 $0x1082  }
0x22: {  	[simem:s7], [sflag:s8] =	dma.local @!p0 [hbm:s6], $0xF7A  }
0x23: {  	s9 =	sor.u32 $0xD0000000, s2;
	s6 =	simm.s32 $0x108;
	_ =	swait.ge @!p0 [sflag:s8], $0x0  }
0x24: {  	s3 =	sadd.s32 $0x88, s3;
	s6 =	simm.s32 @!p1 $0x1082;
	[sflag:s4] =	ssyncset.s32 $0xFFFFF086  }
0x25: {  	[simem:s6], [sflag:s4] =	dma.local [hbm:s3], $0xF7A  }
0x26: {  	[smem:$0x3FA0] =	sst s1;
	(tag) =	ssettag s2;
	_ =	strace s9  }
0x27: {  	s1 =	sld [smem:$0x3FB0]  }
0x28: {  	s2 =	sld [smem:$0x3FB1]  }
0x29: {  	s4 =	sld [smem:$0x3FB3]  }
0x2a: {  	p0 =	seq.s32 s5, $0x0;
	s5 =	sld [smem:$0x3FB4]  }
0x2b: {  	s6 =	sld [smem:$0x3FB5]  }
0x2c: {  	s7 =	sld [smem:$0x3FB6]  }
0x2d: {  	s3 =	simm.s32 $0x108;
	s8 =	sld [smem:$0x3FB7]  }
0x2e: {  	s3 =	simm.s32 @!p0 $0x1082;
	s9 =	sld [smem:$0x3FB8]  }
0x2f: {  	lr =	sadd.s32 s0, s3;
	s0 =	sld [smem:$0x3FAF]  }
0x30: {  	s3 =	sld [smem:$0x3FB2]  }
0x31: {  	[smem:$0x3FBB] =	sst s10  }
0x32: {  	s10 =	sld [smem:$0x3FB9];
	_ =	sdelay $0x3  }
0x33: {  	p0 =	seq.s32 s10, $0x1;
	s10 =	sld [smem:$0x3FBB];
	_ =	sdelay $0x3  }
0x34: {  	[smem:$0x3FBB] =	sst s10  }
0x35: {  	s10 =	sld [smem:$0x3FBA];
	_ =	sdelay $0x3  }
0x36: {  	p1 =	seq.s32 s10, $0x1;
	s10 =	sld [smem:$0x3FBB];
	_ =	sdelay $0x3  }
0x37: {  	[smem:$0x3FBB] =	sst s10  }
0x38: {  	s10 =	sld [smem:$0x3FBC]  }
0x39: {  	_ = 	snop;
	(pc) =	sbr.ind lr, $3  }
0x3a: {  	_ = 	snop  }
0x3b: {  	_ = 	snop  }
0x3c: {  	p2 =	seq.s32 s10, $0x1;
	s10 =	sld [smem:$0x3FBB]  }
0x3d: {  	_ =	shalt  }
0x3e: {  	_ =	shalt  }
0x3f: {  	_ =	shalt  }
0x40: {  	_ =	shalt  }
0x41: {  	_ =	shalt  }
0x42: {  	_ =	shalt  }
0x43: {  	_ =	shalt  }
0x44: {  	_ =	shalt  }
0x45: {  	_ =	shalt  }
0x46: {  	_ =	shalt  }
0x47: {  	_ =	shalt  }
0x48: {  	_ =	shalt  }
0x49: {  	_ =	shalt  }
0x4a: {  	_ =	shalt  }
0x4b: {  	_ =	shalt  }
0x4c: {  	_ =	shalt  }
0x4d: {  	_ =	shalt  }
0x4e: {  	_ =	shalt  }
0x4f: {  	_ =	shalt  }
0x50: {  	_ =	shalt  }
0x51: {  	_ =	shalt  }
0x52: {  	_ =	shalt  }
0x53: {  	_ =	shalt  }
0x54: {  	_ =	shalt  }
0x55: {  	_ =	shalt  }
0x56: {  	_ =	shalt  }
0x57: {  	_ =	shalt  }
0x58: {  	_ =	shalt  }
0x59: {  	_ =	shalt  }
0x5a: {  	_ =	shalt  }
0x5b: {  	_ =	shalt  }
0x5c: {  	_ =	shalt  }
0x5d: {  	_ =	shalt  }
0x5e: {  	_ =	shalt  }
0x5f: {  	_ =	shalt  }
0x60: {  	_ =	shalt  }
0x61: {  	_ =	shalt  }
0x62: {  	_ =	shalt  }
0x63: {  	_ =	shalt  }
0x64: {  	_ =	shalt  }
0x65: {  	_ =	shalt  }
0x66: {  	_ =	shalt  }
0x67: {  	_ =	shalt  }
0x68: {  	_ =	shalt  }
0x69: {  	_ =	shalt  }
0x6a: {  	_ =	shalt  }
0x6b: {  	_ =	shalt  }
0x6c: {  	_ =	shalt  }
0x6d: {  	_ =	shalt  }
0x6e: {  	_ =	shalt  }
0x6f: {  	_ =	shalt  }
0x70: {  	_ =	shalt  }
0x71: {  	_ =	shalt  }
0x72: {  	_ =	shalt  }
0x73: {  	_ =	shalt  }
0x74: {  	_ =	shalt  }
0x75: {  	_ =	shalt  }
0x76: {  	_ =	shalt  }
0x77: {  	_ =	shalt  }
0x78: {  	_ =	shalt  }
0x79: {  	_ =	shalt  }
0x7a: {  	_ =	shalt  }
0x7b: {  	_ =	shalt  }
0x7c: {  	_ =	shalt  }
0x7d: {  	_ =	shalt  }
0x7e: {  	_ =	shalt  }
0x7f: {  	_ =	shalt  }
0x80: {  	_ =	shalt  }
0x81: {  	_ =	shalt  }
0x82: {  	_ =	shalt  }
0x83: {  	_ =	shalt  }
0x84: {  	_ =	shalt  }
0x85: {  	_ =	shalt  }
0x86: {  	_ =	shalt  }
0x87: {  	_ =	shalt  }
.Lfunc_end0:
.L_simem_size_0:
called_computation_lowered:
.L_overlay_start_0:
0x88: {  	s2 =	sld [smem:$0x3FD9]  }
0x89: {  	s3 =	sld [smem:$0x3FFE];
	_ =	sdelay $0x1  }
0x8a: {  	s1 =	srdreg.scid  }
0x8b: {  	s0 =	sand.u32 $0x1, s1  }
0x8c: {  	s14 =	sshll.u32 s0, $0xA;
	s2 =	sadd.s32 s3, s2  }
0x8d: {  	s2 =	sadd.s32 s2, s14  }
0x8e: {  	[smem:$0x3FC7] =	sst s2  }
0x8f: {  	_ = 	snop  }
0x90: {  	s2 =	sld [smem:$0x3FD0];
	_ =	sdelay $0x2  }
0x91: {  	s15 =	simm.s32 $0xA;
	s4 =	simm.s32 $0x10  }
0x92: {  	[smem:s4], [sflag:s15] =	dma.local [hbm:s2], $0x1  }
0x93: {  	_ =	swait.eq [sflag:s15], $0x1  }
0x94: {  	[sflag:s15] =	ssyncset.done $0x0  }
0x95: {  	s16 =	sld [smem:$0x10];
	[sflag:s15] =	ssyncadd.s32 $0xFFFFFFFF  }
0x96: {  	s17 =	sld [smem:$0x11];
	(tm) =	ssettm $0x1  }
0x97: {  	s18 =	sld [smem:$0x3FFB];
	_ =	sdelay $0x3  }
0x98: {  	_ =	strace s18  }
0x99: {  	s4 =	sld [smem:$0x3FFC];
	_ =	sdelay $0x3  }
0x9a: {  	_ =	strace s4  }
0x9b: {  	s4 =	sld [smem:$0x3FFD];
	_ =	sdelay $0x3  }
0x9c: {  	_ =	strace s4  }
0x9d: {  	_ =	strace $0x8FFFFFFF  }
0x9e: {  	s19 =	sld [smem:$0x3FDB];
	_ =	sdelay $0x1  }
0x9f: {  	s5 =	simm.s32 $_scs_section_size  }
0xa0: {  	s6 =	simm.s32 $_size__tile_overlayer_lowered;
	s7 =	simm.s32 $_tile_overlayer_lowered  }
0xa1: {  	s22 =	simm.s32 $0x1BFF;
	s21 =	sshll.u32 s7, $0x1;
	s4 =	sadd.s32 s5, s19  }
0xa2: {  	s8 =	simm.s32 $0x0;
	s20 =	sshll.u32 s6, $0x1;
	s6 =	sadd.s32 s21, s4  }
0xa3: {  	[timem:s8], [sflag:s22] =	dma.local [hbm:s6], s20  }
0xa4: {  	_ =	swait.ge [sflag:s22], s20  }
0xa5: {  	s5 =	ssub.s32 $0x0, s20;
	[sflag:s22] =	ssyncset.done $0x0  }
0xa6: {  	[sflag:s22] =	ssyncadd.s32 s5;
	_ =	sdelay $0x1  }
0xa7: {  	s23 =	simm.s32 $0x1B8B  }
0xa8: {  	_ =	swait.ge [sflag:s23], $0x1  }
0xa9: {  	[sflag:s23] =	ssyncset.done $0x0  }
0xaa: {  	s25 =	simm.s32 $0x1B8E;
	s24 =	sld [smem:$0x3FFE];
	[sflag:s23] =	ssyncadd.s32 $0xFFFFFFFF  }
0xab: {  	s26 =	simm.s32 $execute0_lowered;
	[smem:$0x3FD2] =	sst s25  }
0xac: {  	s6 =	sshll.u32 s26, $0x1;
	_ =	strace $0x80000046;
	[dreg:$0x1] =	wrdreg $0xFFFFFFFF  }
0xad: {  	s28 =	simm.s32 $_size_execute0_lowered;
	s4 =	sadd.s32 s4, s6;
	[dreg:$0x0] =	wrdreg $0x0  }
0xae: {  	s6 =	sshll.u32 s28, $0x1;
	[dreg:$0x2] =	wrdreg s4  }
0xaf: {  	[dreg:$0x3] =	wrdreg s6  }
0xb0: {  	[dreg:$0x4] =	wrdreg $0xC0  }
0xb1: {  	_ =	task [dreg:s8], $0x5FFFF  }
0xb2: {  	[dreg:$0x1] =	wrdreg $0xFFFFFFFF  }
0xb3: {  	[dreg:$0x0] =	wrdreg $0x60  }
0xb4: {  	[dreg:$0x2] =	wrdreg s16  }
0xb5: {  	[dreg:$0x3] =	wrdreg s17  }
0xb6: {  	[dreg:$0x4] =	wrdreg s24  }
0xb7: {  	[dreg:$0x5] =	wrdreg $0x9  }
0xb8: {  	_ =	task.clear_ibuf [dreg:s8], $0x6FFFF;
	_ =	strace $0x90000046  }
0xb9: {  	s29 =	simm.s32 $0x9;
	_ =	strace $0x80000048  }
0xba: {  	_ =	swait.ge [sflag:s29], $0x1  }
0xbb: {  	[sflag:s29] =	ssyncadd.s32 $0xFFFFFFFF  }
0xbc: {  	_ =	strace $0x90000048  }
0xbd: {  	_ =	sfence  }
0xbe: {  	s30 =	sld [smem:$0x0];
	_ =	sdelay $0x2  }
0xbf: {  	s31 =	sshll.u32 s1, $0xD;
	s1 =	sshrl.u32 s1, $0x2  }
0xc0: {  	s3 =	sand.u32 $0x4000, s31;
	s1 =	sadd.s32 s1, s30  }
0xc1: {  	s0 =	sor.u32 s3, s0;
	s1 =	sshll.u32 s1, $0x11  }
0xc2: {  	s0 =	sor.u32 s1, s0  }
0xc3: {  	s0 =	sadd.s32 $0x8F2B, s0  }
0xc4: {  	[sflag:s0] =	ssyncadd.remote.s32 $0x1  }
0xc5: {  	_ =	sfence.sel $0xFFFF  }
0xc6: {  	[dreg:$0x0] =	wrdreg $0xFFFFFFFF;
	(pc) =	sbr.abs _section_cstart, $3  }
0xc7: {  	[dreg:$0x1] =	wrdreg $0xFFFFFFFF  }
0xc8: {  	_ =	task.clear_ibuf [dreg:s8], $0x2FFFF;
	_ =	strace $0x9FFFFFFF  }
0xc9: {  	(tm) =	ssettm $0x7FFFFFFF  }
tec
execute0_lowered:
.L_overlay_start_1:
0x0: {  	(tag) =	ssettag $0x1  }
0x1: {  	s4 =	rddreg [dreg:$0x0]  }
0x2: {  	s8 =	rddreg [dreg:$0x1];
	s1 =	srdreg.scid  }
0x3: {  	s0 =	stileid.u32;
	s3 =	rddreg [dreg:$0x2]  }
0x4: {  	s2 =	simm.s32 $0x0;
	s12 =	simm.s32 $0x800;
	s13 =	simm.s32 $0x1000  }
0x5: {  	s14 =	simm.s32 $0x1800;
	s15 =	simm.s32 $0x4000;
	s16 =	simm.s32 $0x2000  }
0x6: {  	s18 =	simm.s32 $0x3000;
	s19 =	simm.s32 $0x3800;
	s20 =	simm.s32 $0xD400  }
0x7: {  	s21 =	simm.s32 $0x5200;
	s5 =	sand.u32 $0x1, s1;
	s1 =	rddreg [dreg:$0x3]  }
0x8: {  	s22 =	simm.s32 $0x0;
	s6 =	sshll.u32 s0, $0x1;
	[smem:$0x7FF] =	sst s2  }
0x9: {  	s7 =	sshll.u32 s0, $0xA;
	s6 =	sor.u32 s5, s6;
	_ =	strace $0x80000047  }
0xa: {  	s31 =	ssub.s32 $0x2, s5;
	s17 =	sand.u32 $0x3800, s7;
	s9 =	smul.u32 $0x1040, s6  }
0xb: {  	v0 =	vlaneseq.u32;
	s5 =	sshrl.u32 s31, $0x1;
	s6 =	sshll.u32 s6, $0x9;
	s7 =	sshrl.u32 s17, $0x3  }
0xc: {  	v1 =	vor.u32 s17, v0;
	s17 =	simm.s32 $0x2800;
	s11 =	ssub.s32 s31, s5;
	s4 =	sadd.s32 s4, s7  }
0xd: {  	v4 =	vmul.u32 $0xFFFFFFFF, v0;
	s10 =	sadd.s32 s9, s3;
	s3 =	sand.u32 $0x600, s6;
	s5 =	sadd.s32 $0x800, s4  }
0xe: {  	s6 =	sadd.s32 $0x1000, s4;
	s7 =	sadd.s32 $0x1800, s4;
	s8 =	sadd.s32 s8, s9  }
0xf: {  	v2 =	vimm.f32 $+Inf;
	v3 =	vimm.s32 $0x40000000;
	v4 =	vadd.s32 $0xF, v4;
	s9 =	sadd.s32 $0x1000, s10;
	s10 =	smax.u32 s11, $0x1;
	s11 =	simm.s32 $0x1  }
.LBB2_1:
0x10: {  	[tilespmem:s2], [sflag:$0x1] =	stream.linear.gather [hbm4b:s4+s2], $0x800, $0x38;
	[tilespmem:$0x15600] =	vst v63  }
0x11: {  	_ =	swait.ge [sflag:s11], $0x800  }
0x12: {  	[sflag:s11] =	ssyncset.done $0x0  }
0x13: {  	[sflag:s11] =	ssyncadd.s32 $0xFFFFF800  }
0x14: {  	[tilespmem:s12], [sflag:$0x1] =	stream.linear.gather [hbm4b:s5+s2], $0x800, $0x38;
	[tilespmem:$0x15600] =	vst v63  }
0x15: {  	_ =	swait.ge [sflag:s11], $0x800  }
0x16: {  	[sflag:s11] =	ssyncset.done $0x0  }
0x17: {  	[sflag:s11] =	ssyncadd.s32 $0xFFFFF800  }
0x18: {  	[tilespmem:s13], [sflag:$0x1] =	stream.linear.gather [hbm4b:s6+s2], $0x800, $0x38;
	[tilespmem:$0x15600] =	vst v63  }
0x19: {  	_ =	swait.ge [sflag:s11], $0x800  }
0x1a: {  	[sflag:s11] =	ssyncset.done $0x0  }
0x1b: {  	[sflag:s11] =	ssyncadd.s32 $0xFFFFF800  }
0x1c: {  	[tilespmem:s14], [sflag:$0x1] =	stream.linear.gather [hbm4b:s7+s2], $0x800, $0x38;
	[tilespmem:$0x15600] =	vst v63  }
0x1d: {  	_ =	swait.ge [sflag:s11], $0x800  }
0x1e: {  	[sflag:s11] =	ssyncset.done $0x0  }
0x1f: {  	s23 =	simm.s32 $0x0;
	[sflag:s11] =	ssyncadd.s32 $0xFFFFF800  }
0x20: {  	v5 =	vld [tilespmem:s23+$0x0]  }
0x21: {  	v11 =	vld [tilespmem:s23+$0x800]  }
0x22: {  	v12 =	vld [tilespmem:s23+$0x1000]  }
0x23: {  	v14 =	vld [tilespmem:s23+$0x1800];
	_ =	sdelay $0x2  }
0x24: {  	v6 =	vshrl.u32 v5, $0x10;
	v7 =	vshrl.u32 v11, $0x10;
	v8 =	vmul.f32 v5, v5  }
0x25: {  	v9 =	vmul.f32 v11, v11;
	v13 =	vshrl.u32 v12, $0x10;
	v15 =	vmul.f32 v12, v12  }
0x26: {  	s24 =	simm.s32 $0x10;
	v16 =	vmul.f32 v14, v14;
	v17 =	vshrl.u32 v14, $0x10;
	v10 =	vand.u32 $0x1, v6  }
0x27: {  	v6 =	vld [tilespmem:s24+$0x0];
	v18 =	vand.u32 $0x1, v7;
	v19 =	vand.u32 $0x1, v13;
	v17 =	vand.u32 $0x1, v17  }
0x28: {  	v7 =	vld [tilespmem:s24+$0x800];
	v8 =	vadd.f32 v9, v8;
	v9 =	vadd.f32 v16, v15;
	v10 =	vadd.s32 v10, v5  }
0x29: {  	s25 =	simm.s32 $0x80;
	v5 =	vld [tilespmem:s24+$0x1000];
	v13 =	vadd.s32 v18, v11;
	v11 =	vadd.s32 v19, v12;
	v12 =	vadd.s32 v17, v14  }
.LBB2_2:
0x2a: {  	p0 =	sne.s32 s25, $0x1FC0;
	v14 =	vld [tilespmem:s24+$0x1800];
	v8 =	vadd.f32 v9, v8;
	v9 =	vadd.s32 $0x7FFF, v10;
	v10 =	vadd.s32 $0x7FFF, v13  }
0x2b: {  	v15 =	vadd.s32 $0x7FFF, v11;
	v16 =	vadd.s32 $0x7FFF, v12;
	v9 =	vand.u32 $0xFFFF0000, v9  }
0x2c: {  	v13 =	vshrl.u32 v6, $0x10;
	[tilespmem:s23+$0x4000] =	vst v8;
	v8 =	vand.u32 $0xFFFF0000, v10;
	v10 =	vand.u32 $0xFFFF0000, v15;
	v11 =	vmovc v6  }
0x2d: {  	v13 =	vand.u32 $0x1, v13;
	v15 =	vshrl.u32 v7, $0x10;
	[tilespmem:s23+$0x2000] =	vst v9;
	v9 =	vand.u32 $0xFFFF0000, v16;
	v12 =	vmovc v7  }
.Ltmp0:
0x2e: {  	v16 =	vmul.f32 v6, v11;
	v17 =	vmul.f32 v7, v12;
	v7 =	vshrl.u32 v5, $0x10;
	[tilespmem:s23+$0x2800] =	vst v8;
	(pc) =	sbr.rel @p0 .LBB2_2-.Ltmp0, $4  }
0x2f: {  	s26 =	sshra.s32 s25, $0x2;
	v18 =	vmul.f32 v5, v5;
	v19 =	vmul.f32 v14, v14;
	v8 =	vshrl.u32 v14, $0x10;
	[tilespmem:s23+$0x3000] =	vst v10  }
0x30: {  	v15 =	vand.u32 $0x1, v15;
	v20 =	vand.u32 $0x1, v7;
	v6 =	vld [tilespmem:s26+$0x0];
	v21 =	vand.u32 $0x1, v8;
	[tilespmem:s23+$0x3800] =	vst v9;
	s23 =	smov.u32 s24;
	s24 =	smov.u32 s26  }
0x31: {  	v10 =	vadd.s32 v13, v11;
	v8 =	vadd.f32 v17, v16;
	v7 =	vld [tilespmem:s24+$0x800];
	v9 =	vadd.f32 v19, v18  }
0x32: {  	s25 =	sadd.s32 $0x40, s25;
	v13 =	vadd.s32 v15, v12;
	v11 =	vadd.s32 v20, v5;
	v12 =	vadd.s32 v21, v14;
	v5 =	vld [tilespmem:s24+$0x1000]  }
0x33: {  	v8 =	vadd.f32 v9, v8;
	v50 =	vadd.s32 $0x7FFF, v10  }
0x34: {  	v14 =	vld [tilespmem:s24+$0x1800];
	v51 =	vadd.s32 $0x7FFF, v13;
	v11 =	vadd.s32 $0x7FFF, v11;
	v12 =	vadd.s32 $0x7FFF, v12  }
0x35: {  	v9 =	vand.u32 $0xFFFF0000, v50;
	v10 =	vand.u32 $0xFFFF0000, v51;
	v53 =	vand.u32 $0xFFFF0000, v11  }
0x36: {  	v56 =	vand.u32 $0xFFFF0000, v12;
	v52 =	vshrl.u32 v6, $0x10;
	v15 =	vmul.f32 v6, v6  }
0x37: {  	v16 =	vmul.f32 v7, v7;
	v54 =	vand.u32 $0x1, v52;
	v55 =	vshrl.u32 v7, $0x10  }
0x38: {  	[tilespmem:s23+$0x4000] =	vst v8;
	v17 =	vmul.f32 v5, v5;
	v59 =	vshrl.u32 v5, $0x10;
	v13 =	vand.u32 $0x1, v55  }
0x39: {  	[tilespmem:s23+$0x2000] =	vst v9;
	v6 =	vadd.s32 v54, v6;
	v18 =	vmul.f32 v14, v14;
	v57 =	vadd.f32 v16, v15  }
0x3a: {  	[tilespmem:s23+$0x2800] =	vst v10;
	v60 =	vshrl.u32 v14, $0x10;
	v61 =	vand.u32 $0x1, v59;
	v7 =	vadd.s32 v13, v7  }
0x3b: {  	[tilespmem:s23+$0x3000] =	vst v53;
	v6 =	vadd.s32 $0x7FFF, v6;
	v10 =	vand.u32 $0x1, v60;
	v5 =	vadd.s32 v61, v5  }
0x3c: {  	[tilespmem:s23+$0x3800] =	vst v56;
	v7 =	vadd.s32 $0x7FFF, v7;
	v6 =	vand.u32 $0xFFFF0000, v6;
	v58 =	vadd.f32 v18, v17  }
0x3d: {  	v63 =	vadd.s32 v10, v14;
	v5 =	vadd.s32 $0x7FFF, v5;
	v7 =	vand.u32 $0xFFFF0000, v7;
	[tilespmem:s24+$0x2000] =	vst v6  }
0x3e: {  	v6 =	vadd.s32 $0x7FFF, v63;
	v5 =	vand.u32 $0xFFFF0000, v5;
	[tilespmem:s24+$0x2800] =	vst v7  }
0x3f: {  	v62 =	vadd.f32 v58, v57;
	v6 =	vand.u32 $0xFFFF0000, v6;
	[tilespmem:s24+$0x3000] =	vst v5  }
0x40: {  	[tilespmem:s24+$0x3800] =	vst v6  }
0x41: {  	s23 =	simm.s32 $0x0;
	[tilespmem:s24+$0x4000] =	vst v62  }
.LBB2_4:
0x42: {  	s24 =	sor.u32 s3, s23  }
0x43: {  	v9 =	vmov s24;
	s24 =	simm.s32 $0x0  }
0x44: {  	v10 =	vld [tilespmem:s24+$0x2010]  }
0x45: {  	v11 =	vld [tilespmem:s24+$0x3800]  }
0x46: {  	v12 =	vld [tilespmem:s24+$0x3000]  }
0x47: {  	v13 =	vld [tilespmem:s24+$0x2800]  }
0x48: {  	v14 =	vld [tilespmem:s24+$0x2000]  }
0x49: {  	v15 =	vld [tilespmem:s24+$0x2810]  }
0x4a: {  	v16 =	vld [tilespmem:s24+$0x3010]  }
0x4b: {  	v17 =	vld [tilespmem:s24+$0x3810]  }
0x4c: {  	v5 =	vld.idx.msk [tilespmem:v9+s15+$0x0], $0xffff  }
0x4d: {  	v6 =	vld.idx.msk [tilespmem:v9+s16+$0x0], $0xffff  }
0x4e: {  	v7 =	vld.idx.msk [tilespmem:v9+s17+$0x0], $0xffff  }
0x4f: {  	v8 =	vld.idx.msk [tilespmem:v9+s18+$0x0], $0xffff  }
0x50: {  	v9 =	vld.idx.msk [tilespmem:v9+s19+$0x0], $0xffff  }
0x51: {  	v18 =	vld [tilespmem:s24+$0x2020]  }
0x52: {  	v19 =	vld [tilespmem:s24+$0x2820]  }
0x53: {  	v22 =	vld [tilespmem:s24+$0x4010]  }
0x54: {  	v20 =	vld [tilespmem:s24+$0x3020];
	v10 =	vmul.f32 v10, v6;
	v15 =	vmul.f32 v15, v7  }
0x55: {  	s25 =	simm.s32 $0x40;
	v21 =	vld [tilespmem:s24+$0x3820];
	v16 =	vmul.f32 v16, v8;
	v17 =	vmul.f32 v17, v9  }
0x56: {  	v27 =	vld [tilespmem:s25+$0x2010];
	v12 =	vmul.f32 v12, v8  }
0x57: {  	v23 =	vld [tilespmem:s24+$0x4020];
	v13 =	vmul.f32 v13, v7;
	v10 =	vadd.f32 v15, v10;
	v15 =	vadd.f32 v17, v16  }
0x58: {  	v24 =	vld [tilespmem:s24+$0x2030];
	v11 =	vmul.f32 v11, v9;
	v14 =	vmul.f32 v14, v6;
	v22 =	vadd.f32 v22, v5  }
0x59: {  	v25 =	vld [tilespmem:s24+$0x4000];
	v18 =	vmul.f32 v18, v6;
	v19 =	vmul.f32 v19, v7;
	v10 =	vadd.f32 v15, v10  }
0x5a: {  	v26 =	vld [tilespmem:s24+$0x4030];
	v20 =	vmul.f32 v20, v8;
	v21 =	vmul.f32 v21, v9;
	v11 =	vadd.f32 v11, v12  }
0x5b: {  	v16 =	vld [tilespmem:s24+$0x2830];
	v12 =	vadd.f32 v13, v14;
	v10 =	vadd.f32 v10, v10  }
0x5c: {  	v17 =	vld [tilespmem:s24+$0x3030];
	v14 =	vadd.f32 v19, v18;
	v18 =	vadd.f32 v21, v20  }
0x5d: {  	v15 =	vld [tilespmem:s24+$0x3830];
	v10 =	vsub.f32 v22, v10  }
0x5e: {  	v13 =	vld [tilespmem:s25+$0x3000];
	v11 =	vadd.f32 v11, v12;
	v12 =	vadd.f32 v18, v14  }
0x5f: {  	v19 =	vld [tilespmem:s25+$0x2800];
	v10 =	vmax.f32 v10, $0.0e+00  }
0x60: {  	v20 =	vadd.f32 v23, v5;
	v12 =	vadd.f32 v12, v12;
	v22 =	vld [tilespmem:s25+$0x3800];
	[tilespmem:s24+$0x4810] =	vst v10  }
0x61: {  	v14 =	vld [tilespmem:s25+$0x2000]  }
0x62: {  	v17 =	vmul.f32 v17, v8;
	v12 =	vsub.f32 v20, v12;
	v15 =	vmul.f32 v15, v9;
	v18 =	vld [tilespmem:s25+$0x2810]  }
0x63: {  	v11 =	vadd.f32 v11, v11;
	v16 =	vmul.f32 v16, v7;
	v13 =	vmul.f32 v13, v8;
	v21 =	vld [tilespmem:s25+$0x3010]  }
0x64: {  	v19 =	vmul.f32 v19, v7;
	v12 =	vmax.f32 v12, $0.0e+00;
	v15 =	vadd.f32 v15, v17;
	v23 =	vld [tilespmem:s25+$0x3810]  }
0x65: {  	v17 =	vmul.f32 v24, v6;
	vm0 =	vle.f32 v10, $9.499999880e-02;
	v24 =	vadd.f32 v25, v5;
	v20 =	vld [tilespmem:s25+$0x2020]  }
0x66: {  	v10 =	vimm.s32 $0x0;
	v25 =	vadd.f32 v26, v5;
	v22 =	vmul.f32 v22, v9  }
0x67: {  	vm1 =	vle.f32 v12, $9.499999880e-02;
	v16 =	vadd.f32 v16, v17;
	v17 =	vld [tilespmem:s25+$0x2820];
	v11 =	vsub.f32 v24, v11  }
0x68: {  	v24 =	vld [tilespmem:s25+$0x3020];
	[tilespmem:s24+$0x4820] =	vst v12;
	v13 =	vadd.f32 v22, v13;
	v22 =	vmul.f32 v27, v6;
	v26 =	vmul.f32 v14, v6  }
0x69: {  	v12 =	vld [tilespmem:s25+$0x4020];
	v15 =	vadd.f32 v15, v16;
	v18 =	vmul.f32 v18, v7;
	v21 =	vmul.f32 v21, v8  }
0x6a: {  	v14 =	vld [tilespmem:s25+$0x3820];
	v16 =	vmul.f32 v23, v9;
	v20 =	vmul.f32 v20, v6;
	v19 =	vadd.f32 v19, v26  }
0x6b: {  	v23 =	vmax.f32 v11, $0.0e+00;
	v26 =	vld [tilespmem:s25+$0x4010];
	v18 =	vadd.f32 v18, v22;
	v22 =	vadd.f32 v15, v15  }
0x6c: {  	v17 =	vmul.f32 v17, v7;
	vm15 =	vle.f32 v23, $9.499999880e-02;
	v21 =	vadd.f32 v16, v21;
	v15 =	vld [tilespmem:s25+$0x2830]  }
0x6d: {  	v16 =	vmpcnt.ones.xlane vm0;
	v19 =	vadd.f32 v13, v19;
	v13 =	vld [tilespmem:s25+$0x2030];
	[tilespmem:s24+$0x4800] =	vst v23;
	v27 =	vsub.f32 v25, v22  }
0x6e: {  	v28 =	vadd.f32 v21, v18;
	v18 =	vmpcnt.ones.xlane vm1;
	v22 =	vmul.f32 v24, v8;
	v21 =	vld [tilespmem:s25+$0x3030]  }
0x6f: {  	v24 =	vmpcnt.ones.xlane vm15;
	v23 =	vld [tilespmem:s25+$0x3830];
	v11 =	vadd.f32 v19, v19;
	v19 =	vadd.f32 v17, v20  }
0x70: {  	s26 =	simm.s32 $0x200;
	v17 =	vld [tilespmem:s25+$0x4000];
	v20 =	vmax.f32 v27, $0.0e+00;
	v25 =	vadd.f32 v26, v5;
	v26 =	vadd.f32 v28, v28  }
.LBB2_5:
0x71: {  	s28 =	sshra.s32 s26, $0x2;
	p0 =	sne.s32 s26, $0x1F00;
	s26 =	sadd.s32 $0x100, s26;
	v14 =	vmul.f32 v14, v9;
	v27 =	vld [tilespmem:s25+$0x4030];
	v10 =	vadd.s32 v10, v24;
	[tilespmem:s24+$0x4830] =	vst v20;
	vm0 =	vle.f32 v20, $9.499999880e-02  }
0x72: {  	s24 =	smov.u32 s25;
	v20 =	vld [tilespmem:s28+$0x2010];
	v24 =	vsub.f32 v25, v26;
	v10 =	vadd.s32 v16, v10;
	v16 =	vmpcnt.ones.xlane vm0;
	s25 =	smov.u32 s28  }
0x73: {  	v25 =	vld [tilespmem:s25+$0x3800];
	v14 =	vadd.f32 v14, v22;
	v21 =	vmul.f32 v21, v8;
	v10 =	vadd.s32 v18, v10  }
0x74: {  	v18 =	vld [tilespmem:s25+$0x3000];
	v22 =	vmax.f32 v24, $0.0e+00;
	v23 =	vmul.f32 v23, v9;
	v10 =	vadd.s32 v16, v10  }
0x75: {  	v16 =	vld [tilespmem:s25+$0x2800];
	[tilespmem:s24+$0x4810] =	vst v22;
	vm0 =	vle.f32 v22, $9.499999880e-02;
	v14 =	vadd.f32 v14, v19  }
0x76: {  	v15 =	vmul.f32 v15, v7;
	v19 =	vld [tilespmem:s25+$0x2000];
	v21 =	vadd.f32 v23, v21  }
0x77: {  	v12 =	vadd.f32 v12, v5;
	v13 =	vmul.f32 v13, v6;
	v22 =	vld [tilespmem:s25+$0x2810];
	v14 =	vadd.f32 v14, v14  }
0x78: {  	v24 =	vadd.f32 v27, v5;
	v23 =	vld [tilespmem:s25+$0x3010]  }
0x79: {  	v17 =	vadd.f32 v17, v5;
	v18 =	vmul.f32 v18, v8;
	v26 =	vld [tilespmem:s25+$0x3810];
	v12 =	vsub.f32 v12, v14  }
0x7a: {  	v13 =	vadd.f32 v15, v13;
	v14 =	vmul.f32 v16, v7;
	v16 =	vmul.f32 v25, v9;
	v25 =	vld [tilespmem:s25+$0x2020]  }
0x7b: {  	v11 =	vsub.f32 v17, v11;
	v15 =	vmul.f32 v19, v6;
	v19 =	vld [tilespmem:s25+$0x2820];
	v12 =	vmax.f32 v12, $0.0e+00  }
0x7c: {  	v17 =	vmul.f32 v20, v6;
	v16 =	vadd.f32 v16, v18;
	v18 =	vmul.f32 v22, v7;
	v20 =	vld [tilespmem:s25+$0x3020];
	[tilespmem:s24+$0x4820] =	vst v12  }
0x7d: {  	v13 =	vadd.f32 v21, v13;
	v15 =	vadd.f32 v14, v15;
	v22 =	vmul.f32 v23, v8;
	v14 =	vld [tilespmem:s25+$0x3820]  }
0x7e: {  	vm1 =	vle.f32 v12, $9.499999880e-02;
	v17 =	vadd.f32 v18, v17;
	v18 =	vmul.f32 v26, v9;
	v26 =	vld [tilespmem:s25+$0x4010]  }
0x7f: {  	v21 =	vadd.f32 v13, v13;
	v15 =	vadd.f32 v16, v15;
	v23 =	vmul.f32 v25, v6;
	v12 =	vld [tilespmem:s25+$0x4020]  }
.Ltmp1:
0x80: {  	v16 =	vmpcnt.ones.xlane vm0;
	v18 =	vadd.f32 v18, v22;
	v13 =	vld [tilespmem:s25+$0x2030];
	v22 =	vmax.f32 v11, $0.0e+00;
	(pc) =	sbr.rel @p0 .LBB2_5-.Ltmp1, $4  }
0x81: {  	v27 =	vsub.f32 v24, v21;
	v19 =	vmul.f32 v19, v7;
	v11 =	vadd.f32 v15, v15;
	v15 =	vld [tilespmem:s25+$0x2830];
	[tilespmem:s24+$0x4800] =	vst v22  }
0x82: {  	vm0 =	vle.f32 v22, $9.499999880e-02;
	v28 =	vadd.f32 v18, v17;
	v21 =	vld [tilespmem:s25+$0x3030];
	v18 =	vmpcnt.ones.xlane vm1  }
0x83: {  	v22 =	vmul.f32 v20, v8;
	v19 =	vadd.f32 v19, v23;
	v24 =	vmpcnt.ones.xlane vm0;
	v23 =	vld [tilespmem:s25+$0x3830]  }
0x84: {  	v20 =	vmax.f32 v27, $0.0e+00;
	v25 =	vadd.f32 v26, v5;
	v17 =	vld [tilespmem:s25+$0x4000];
	v26 =	vadd.f32 v28, v28  }
0x85: {  	_ = 	snop  }
0x86: {  	v14 =	vmul.f32 v14, v9  }
0x87: {  	v6 =	vmul.f32 v13, v6;
	v7 =	vmul.f32 v15, v7  }
0x88: {  	v8 =	vmul.f32 v21, v8;
	v55 =	vmul.f32 v23, v9  }
0x89: {  	v56 =	vld [tilespmem:s25+$0x4030];
	v12 =	vadd.f32 v12, v5;
	v14 =	vadd.f32 v14, v22  }
0x8a: {  	v10 =	vadd.s32 v10, v24;
	v6 =	vadd.f32 v7, v6;
	v8 =	vadd.f32 v55, v8  }
0x8b: {  	vm0 =	vle.f32 v20, $9.499999880e-02;
	v7 =	vadd.f32 v14, v19;
	v58 =	vadd.f32 v17, v5  }
0x8c: {  	v57 =	vsub.f32 v25, v26;
	v10 =	vadd.s32 v16, v10;
	v6 =	vadd.f32 v8, v6  }
0x8d: {  	v59 =	vmpcnt.ones.xlane vm0;
	v7 =	vadd.f32 v7, v7;
	v9 =	vsub.f32 v58, v11  }
0x8e: {  	v10 =	vadd.s32 v18, v10;
	v5 =	vadd.f32 v56, v5;
	v6 =	vadd.f32 v6, v6  }
0x8f: {  	v60 =	vmax.f32 v57, $0.0e+00;
	v7 =	vsub.f32 v12, v7;
	v9 =	vmax.f32 v9, $0.0e+00  }
0x90: {  	vm1 =	vle.f32 v60, $9.499999880e-02;
	vm13 =	vle.f32 v9, $9.499999880e-02;
	v5 =	vsub.f32 v5, v6  }
0x91: {  	v61 =	vmpcnt.ones.xlane vm1;
	v6 =	vmax.f32 v7, $0.0e+00;
	v7 =	vmpcnt.ones.xlane vm13  }
0x92: {  	v8 =	vadd.s32 v59, v10;
	vm14 =	vle.f32 v6, $9.499999880e-02;
	v5 =	vmax.f32 v5, $0.0e+00  }
0x93: {  	v62 =	vmpcnt.ones.xlane vm14;
	v7 =	vadd.s32 v8, v7;
	vm15 =	vle.f32 v5, $9.499999880e-02  }
0x94: {  	v7 =	vadd.s32 v61, v7;
	v63 =	vmpcnt.ones.xlane vm15  }
0x95: {  	v7 =	vadd.s32 v62, v7  }
0x96: {  	v7 =	vadd.s32 v63, v7  }
0x97: {  	v7 =	vxor.u32 $0x80000000, v7  }
0x98: {  	(xrf0) =	vmax.scan.msk.u32 $0xffff, v7;
	_ =	sdelay $0x5  }
0x99: {  	v7, _, _ =	vpop (xrf0)  }
0x9a: {  	(v2sf) =	vpush v7, $0xF;
	_ =	sdelay $0xe  }
0x9b: {  	s26 =	spop (v2sf)  }
0x9c: {  	s31 =	sadd.s32 $0x7FFFFF7F, s26  }
0x9d: {  	p0 =	sgt.u32 s31, $0xFFFFFFBF  }
.Ltmp2:
0x9e: {  	[tilespmem:s24+$0x4830] =	vst v20;
	(pc) =	sbr.rel @p0 .LBB2_12-.Ltmp2, $4  }
0x9f: {  	[tilespmem:s25+$0x4810] =	vst v60  }
0xa0: {  	[tilespmem:s25+$0x4800] =	vst v9  }
0xa1: {  	[tilespmem:s25+$0x4820] =	vst v6  }
0xa2: {  	[tilespmem:s25+$0x4830] =	vst v5;
	v5 =	vimm.f32 $9.499999880e-02  }
0xa3: {  	v6 =	vimm.f32 $0.0e+00;
	v7 =	vimm.f32 $4.000000000e+00;
	s24 =	simm.s32 $0x0  }
.LBB2_8:
0xa4: {  	p0 =	slt.u32 s26, $0x80000041;
	s25 =	simm.s32 $0x0  }
0xa5: {  	v6 =	vpsel p0, v5, v6;
	v7 =	vpsel p0, v7, v5;
	v8 =	vld [tilespmem:s25+$0x4800]  }
0xa6: {  	v9 =	vld [tilespmem:s25+$0x4810];
	v5 =	vadd.f32 v7, v6  }
0xa7: {  	v10 =	vld [tilespmem:s25+$0x4820]  }
0xa8: {  	v11 =	vld [tilespmem:s25+$0x4830];
	v5 =	vmul.f32 $5.000000000e-01, v5;
	_ =	sdelay $0x1  }
0xa9: {  	s31 =	simm.s32 $0x40;
	vm0 =	vle.f32 v8, v5  }
0xaa: {  	vm13 =	vle.f32 v9, v5;
	v8 =	vld [tilespmem:s31+$0x4800];
	v12 =	vmpcnt.ones.xlane vm0  }
0xab: {  	v13 =	vimm.s32 $0x0;
	vm14 =	vle.f32 v10, v5;
	v9 =	vld [tilespmem:s31+$0x4810];
	v14 =	vmpcnt.ones.xlane vm13  }
0xac: {  	v10 =	vld [tilespmem:s31+$0x4820];
	vm15 =	vle.f32 v11, v5;
	v12 =	vadd.s32 v13, v12;
	v13 =	vmpcnt.ones.xlane vm14  }
0xad: {  	v11 =	vld [tilespmem:s31+$0x4830];
	v14 =	vadd.s32 v14, v12;
	v12 =	vmpcnt.ones.xlane vm15  }
0xae: {  	s25 =	simm.s32 $0x200;
	v13 =	vadd.s32 v13, v14  }
.LBB2_9:
0xaf: {  	s26 =	sshra.s32 s25, $0x2;
	p0 =	sne.s32 s25, $0x1F00;
	s25 =	sadd.s32 $0x100, s25;
	vm0 =	vle.f32 v8, v5;
	v12 =	vadd.s32 v12, v13  }
.Ltmp3:
0xb0: {  	v8 =	vld [tilespmem:s26+$0x4800];
	v13 =	vmpcnt.ones.xlane vm0;
	vm0 =	vle.f32 v9, v5;
	(pc) =	sbr.rel @p0 .LBB2_9-.Ltmp3, $4  }
0xb1: {  	v9 =	vld [tilespmem:s26+$0x4810];
	v14 =	vmpcnt.ones.xlane vm0;
	vm0 =	vle.f32 v10, v5  }
0xb2: {  	v10 =	vld [tilespmem:s26+$0x4820];
	v12 =	vadd.s32 v12, v13;
	v13 =	vmpcnt.ones.xlane vm0;
	vm0 =	vle.f32 v11, v5  }
0xb3: {  	v11 =	vld [tilespmem:s26+$0x4830];
	v14 =	vadd.s32 v14, v12;
	v12 =	vmpcnt.ones.xlane vm0  }
0xb4: {  	v13 =	vadd.s32 v13, v14  }
0xb5: {  	vm0 =	vle.f32 v8, v5  }
0xb6: {  	v8 =	vmpcnt.ones.xlane vm0;
	vm13 =	vle.f32 v9, v5  }
0xb7: {  	v60 =	vadd.s32 v12, v13;
	v61 =	vmpcnt.ones.xlane vm13;
	vm14 =	vle.f32 v10, v5  }
0xb8: {  	v8 =	vadd.s32 v60, v8;
	v62 =	vmpcnt.ones.xlane vm14;
	vm15 =	vle.f32 v11, v5  }
0xb9: {  	v8 =	vadd.s32 v61, v8;
	v63 =	vmpcnt.ones.xlane vm15  }
0xba: {  	v8 =	vadd.s32 v62, v8  }
0xbb: {  	v8 =	vadd.s32 v63, v8  }
0xbc: {  	v8 =	vxor.u32 $0x80000000, v8  }
0xbd: {  	(xrf0) =	vmax.scan.msk.u32 $0xffff, v8;
	_ =	sdelay $0x5  }
0xbe: {  	v8, _, _ =	vpop (xrf0)  }
0xbf: {  	(v2sf) =	vpush v8, $0xF;
	_ =	sdelay $0xe  }
0xc0: {  	s26 =	spop (v2sf)  }
0xc1: {  	s25 =	sadd.s32 $0x7FFFFF7F, s26  }
0xc2: {  	p0 =	sgt.u32 s25, $0xFFFFFFBF  }
0xc3: {  	p1 =	slt.u32 @!p0 s24, $0x27  }
0xc4: {  	p1 =	por p0, !p1  }
.Ltmp4:
0xc5: {  	_ = 	snop;
	(pc) =	sbr.rel @!p1 .LBB2_8-.Ltmp4, $2  }
0xc6: {  	_ =	sdelay $0x2  }
0xc7: {  	s24 =	sadd.s32 $0x1, s24  }
0xc8: {  	v5 =	vpsel p0, v5, v5  }
.LBB2_12:
0xc9: {  	[tilespmem:$0x5000] =	vst v2  }
0xca: {  	[tilespmem:$0x5100] =	vst v3  }
0xcb: {  	[tilespmem:$0x5010] =	vst v2  }
0xcc: {  	[tilespmem:$0x5110] =	vst v3  }
0xcd: {  	[tilespmem:$0x5020] =	vst v2  }
0xce: {  	[tilespmem:$0x5120] =	vst v3  }
0xcf: {  	[tilespmem:$0x5030] =	vst v2  }
0xd0: {  	[tilespmem:$0x5130] =	vst v3  }
0xd1: {  	[tilespmem:$0x5040] =	vst v2  }
0xd2: {  	[tilespmem:$0x5140] =	vst v3  }
0xd3: {  	[tilespmem:$0x5050] =	vst v2  }
0xd4: {  	[tilespmem:$0x5150] =	vst v3  }
0xd5: {  	[tilespmem:$0x5060] =	vst v2  }
0xd6: {  	[tilespmem:$0x5160] =	vst v3  }
0xd7: {  	[tilespmem:$0x5070] =	vst v2  }
0xd8: {  	[tilespmem:$0x5170] =	vst v3  }
0xd9: {  	[tilespmem:$0x5080] =	vst v2  }
0xda: {  	[tilespmem:$0x5180] =	vst v3;
	s24 =	simm.s32 $0x4810  }
0xdb: {  	v6 =	vld [tilespmem:s24+$0xFFFFFFF0];
	_ =	sdelay $0x3  }
0xdc: {  	s25 =	simm.s32 $0x0;
	p0 =	por $0x1, $0x1  }
0xdd: {  	v7 =	vor.u32 s25, v1;
	s25 =	simm.s32 @!p0 $0x80;
	vm0 =	vle.f32 v6, v5  }
0xde: {  	[tilespmem:s25+$0x5000] =	vst.msk vm0, v6  }
0xdf: {  	v6 =	vmpcnt.ones.xlane vm0;
	[tilespmem:s25+$0x5100] =	vst.msk vm0, v7  }
0xe0: {  	v7 =	vld [tilespmem:s24+$0x0]  }
0xe1: {  	(v2sf) =	vpush v6, $0x0;
	_ =	sdelay $0x3  }
0xe2: {  	vm15 =	vle.f32 v7, v5  }
0xe3: {  	v6 =	vmpcnt.ones.xlane vm15;
	_ =	sdelay $0x1  }
0xe4: {  	(v2sf) =	vpush v6, $0x0;
	_ =	sdelay $0x7  }
0xe5: {  	s30 =	spop (v2sf)  }
0xe6: {  	s28 =	sadd.s32 $0x0, s30  }
0xe7: {  	p0 =	slt.s32 s28, $0x80;
	s24 =	smov.u32 s28  }
0xe8: {  	s31 =	simm.s32 $0x10;
	s24 =	simm.s32 @!p0 $0x80  }
0xe9: {  	v6 =	vor.u32 s31, v1;
	[tilespmem:s24+$0x5000] =	vst.msk vm15, v7  }
0xea: {  	s25 =	simm.s32 $0x4830;
	[tilespmem:s24+$0x5100] =	vst.msk vm15, v6  }
0xeb: {  	v6 =	vld [tilespmem:s25+$0xFFFFFFF0]  }
0xec: {  	s26 =	simm.s32 $0x40;
	s24 =	simm.s32 $0x20;
	s29 =	spop (v2sf)  }
.LBB2_13:
0xed: {  	p0 =	sne.s32 s26, $0x7E0  }
0xee: {  	s28 =	sadd.s32 s28, s29;
	s29 =	smov.u32 s26;
	s26 =	sadd.s32 $0x20, s26  }
0xef: {  	p1 =	slt.s32 s28, $0x80;
	s30 =	smov.u32 s28  }
0xf0: {  	vm0 =	vle.f32 v6, v5;
	s30 =	simm.s32 @!p1 $0x80  }
0xf1: {  	[tilespmem:s30+$0x5000] =	vst.msk vm0, v6;
	v6 =	vor.u32 s24, v1;
	v7 =	vmpcnt.ones.xlane vm0  }
0xf2: {  	[tilespmem:s30+$0x5100] =	vst.msk vm0, v6  }
0xf3: {  	v6 =	vld [tilespmem:s25+$0x0];
	(v2sf) =	vpush v7, $0x0;
	_ =	sdelay $0x4  }
0xf4: {  	vm0 =	vle.f32 v6, v5  }
0xf5: {  	v7 =	vmpcnt.ones.xlane vm0;
	_ =	sdelay $0x1  }
0xf6: {  	(v2sf) =	vpush v7, $0x0;
	_ =	sdelay $0x6  }
0xf7: {  	s30 =	spop (v2sf)  }
0xf8: {  	s28 =	sadd.s32 s28, s30  }
0xf9: {  	p1 =	slt.s32 s28, $0x80;
	s31 =	smov.u32 s28  }
0xfa: {  	s30 =	sadd.s32 $0x10, s24;
	s24 =	smov.u32 s29;
	s31 =	simm.s32 @!p1 $0x80  }
.Ltmp5:
0xfb: {  	[tilespmem:s31+$0x5000] =	vst.msk vm0, v6;
	v6 =	vor.u32 s30, v1;
	(pc) =	sbr.rel @p0 .LBB2_13-.Ltmp5, $3  }
0xfc: {  	s25 =	sadd.s32 $0x20, s25;
	[tilespmem:s31+$0x5100] =	vst.msk vm0, v6  }
0xfd: {  	v6 =	vld [tilespmem:s25+$0xFFFFFFF0];
	_ =	sdelay $0x1  }
0xfe: {  	s29 =	spop (v2sf)  }
0xff: {  	_ =	sdelay $0x1  }
0x100: {  	vm0 =	vle.f32 v6, v5  }
0x101: {  	v7 =	vmpcnt.ones.xlane vm0;
	_ =	sdelay $0x1  }
0x102: {  	(v2sf) =	vpush v7, $0x0;
	_ =	sdelay $0x7  }
0x103: {  	s26 =	sadd.s32 s28, s29  }
0x104: {  	p0 =	slt.s32 s26, $0x80;
	s28 =	smov.u32 s26  }
0x105: {  	s28 =	simm.s32 @!p0 $0x80  }
0x106: {  	[tilespmem:s28+$0x5000] =	vst.msk vm0, v6;
	v6 =	vor.u32 s24, v1  }
0x107: {  	[tilespmem:s28+$0x5100] =	vst.msk vm0, v6  }
0x108: {  	v6 =	vld [tilespmem:s25+$0x0];
	_ =	sdelay $0x1  }
0x109: {  	s30 =	spop (v2sf)  }
0x10a: {  	s25 =	sadd.s32 s26, s30  }
0x10b: {  	p0 =	slt.s32 s25, $0x80  }
0x10c: {  	s31 =	sadd.s32 $0x10, s24;
	vm0 =	vle.f32 v6, v5;
	s25 =	simm.s32 @!p0 $0x80  }
0x10d: {  	v5 =	vor.u32 s31, v1;
	[tilespmem:s25+$0x5000] =	vst.msk vm0, v6  }
0x10e: {  	[tilespmem:s25+$0x5100] =	vst.msk vm0, v5  }
0x10f: {  	v5 =	vld [tilespmem:$0x5000]  }
0x110: {  	v6 =	vld [tilespmem:$0x5100]  }
0x111: {  	v7 =	vld [tilespmem:$0x5010]  }
0x112: {  	v8 =	vld [tilespmem:$0x5110]  }
0x113: {  	v9 =	vld [tilespmem:$0x5020]  }
0x114: {  	v10 =	vld [tilespmem:$0x5120]  }
0x115: {  	v11 =	vld [tilespmem:$0x5030]  }
0x116: {  	v12 =	vld [tilespmem:$0x5130]  }
0x117: {  	(xrf1) =	vsort.ascd.msk.f32 $0xffff, v5, v6  }
0x118: {  	(xrf1) =	vsort.ascd.msk.f32 $0xffff, v7, v8;
	_ =	sdelay $0x1  }
0x119: {  	(xrf1) =	vsort.ascd.msk.f32 $0xffff, v9, v10  }
0x11a: {  	(xrf1) =	vsort.ascd.msk.f32 $0xffff, v11, v12  }
0x11b: {  	v32 =	vld [tilespmem:$0x5150]  }
0x11c: {  	v33 =	vld [tilespmem:$0x5060]  }
0x11d: {  	v34 =	vld [tilespmem:$0x5160]  }
0x11e: {  	v5 =	vld [tilespmem:$0x5040]  }
0x11f: {  	v6 =	vld [tilespmem:$0x5140]  }
0x120: {  	v7 =	vld [tilespmem:$0x5050]  }
0x121: {  	v35 =	vld [tilespmem:$0x5070]  }
0x122: {  	v36 =	vld [tilespmem:$0x5170];
	_ =	sdelay $0x1  }
0x123: {  	(xrf1) =	vsort.ascd.msk.f32 $0xffff, v5, v6;
	v5, v6, _ =	vpop (xrf1)  }
0x124: {  	(xrf1) =	vsort.ascd.msk.f32 $0xffff, v7, v32;
	v7, v8, _ =	vpop (xrf1)  }
0x125: {  	(xrf1) =	vsort.ascd.msk.f32 $0xffff, v33, v34;
	v7 =	vperm.xlane v7, v4;
	v8 =	vperm.xlane v8, v4  }
0x126: {  	v9, v10, _ =	vpop (xrf1);
	(xrf1) =	vsort.ascd.msk.f32 $0xffff, v35, v36  }
0x127: {  	v11, v12, _ =	vpop (xrf1);
	vm1 =	vlt.f32 v5, v7;
	vm2 =	veq.f32 v5, v7;
	vm3 =	vlt.s32 v6, v8  }
0x128: {  	v11 =	vperm.xlane v11, v4;
	v12 =	vperm.xlane v12, v4;
	vm2 =	vmand vm2, vm3  }
0x129: {  	vm1 =	vmor vm1, vm2  }
0x12a: {  	vm9 =	veq.f32 v9, v11;
	vm10 =	vlt.s32 v10, v12;
	vm4 =	vlt.f32 v9, v11  }
0x12b: {  	v13 =	vsel vm1, v5, v7;
	v14 =	vsel vm1, v6, v8;
	vm2 =	vmand vm9, vm10  }
0x12c: {  	v5 =	vsel vm1, v7, v5;
	v6 =	vsel vm1, v8, v6;
	(xrf1) =	vsort.ascd.msk.f32 $0xffff, v13, v14;
	vm11 =	vmor vm4, vm2  }
0x12d: {  	(xrf1) =	vsort.ascd.msk.f32 $0xffff, v5, v6;
	v6 =	vsel vm11, v10, v12  }
0x12e: {  	v5 =	vsel vm11, v9, v11  }
0x12f: {  	v7 =	vsel vm11, v11, v9;
	_ =	sdelay $0x1  }
0x130: {  	v37 =	vsel vm11, v12, v10;
	(xrf1) =	vsort.ascd.msk.f32 $0xffff, v5, v6;
	v5, v6, _ =	vpop (xrf1)  }
0x131: {  	(xrf1) =	vsort.ascd.msk.f32 $0xffff, v7, v37;
	v7, v8, _ =	vpop (xrf1)  }
0x132: {  	v7 =	vperm.xlane v7, v4;
	v8 =	vperm.xlane v8, v4  }
0x133: {  	v38, v39, _ =	vpop (xrf1)  }
0x134: {  	v40, v41, _ =	vpop (xrf1);
	vm12 =	vlt.f32 v5, v7;
	vm13 =	veq.f32 v5, v7;
	vm14 =	vlt.s32 v6, v8  }
0x135: {  	v11 =	vperm.xlane v40, v4;
	v12 =	vperm.xlane v41, v4;
	vm2 =	vmand vm13, vm14  }
0x136: {  	vm1 =	vmor vm12, vm2  }
0x137: {  	vm15 =	veq.f32 v38, v11;
	vm8 =	vlt.s32 v39, v12;
	vm9 =	vlt.f32 v38, v11  }
0x138: {  	v42 =	vsel vm1, v5, v7;
	v43 =	vsel vm1, v6, v8;
	vm2 =	vmand vm15, vm8  }
0x139: {  	v5 =	vsel vm1, v7, v5;
	v6 =	vsel vm1, v8, v6;
	(xrf1) =	vsort.ascd.msk.f32 $0xffff, v42, v43;
	vm10 =	vmor vm9, vm2  }
0x13a: {  	(xrf1) =	vsort.ascd.msk.f32 $0xffff, v5, v6;
	v6 =	vsel vm10, v39, v12  }
0x13b: {  	v5 =	vsel vm10, v38, v11;
	v10 =	vsel vm10, v12, v39  }
0x13c: {  	v7, v44, _ =	vpop (xrf1);
	v9 =	vsel vm10, v11, v38  }
0x13d: {  	v13, v14, _ =	vpop (xrf1)  }
0x13e: {  	(xrf1) =	vsort.ascd.msk.f32 $0xffff, v5, v6;
	v5, v6, _ =	vpop (xrf1)  }
0x13f: {  	(xrf1) =	vsort.ascd.msk.f32 $0xffff, v9, v10;
	v9, v10, _ =	vpop (xrf1);
	v5 =	vperm.xlane v5, v4  }
0x140: {  	v9 =	vperm.xlane v9, v4;
	v10 =	vperm.xlane v10, v4  }
0x141: {  	v6 =	vperm.xlane v6, v4  }
0x142: {  	vm14 =	veq.f32 v13, v5;
	vm12 =	veq.f32 v7, v9;
	vm13 =	vlt.s32 v44, v10  }
0x143: {  	vm15 =	vlt.s32 v14, v6;
	vm11 =	vlt.f32 v7, v9;
	vm2 =	vmand vm12, vm13  }
0x144: {  	vm7 =	vlt.f32 v13, v5;
	vm3 =	vmand vm14, vm15;
	vm1 =	vmor vm11, vm2  }
0x145: {  	vm2 =	vmor vm7, vm3;
	v45 =	vsel vm1, v7, v9  }
0x146: {  	v46 =	vsel vm1, v44, v10;
	v7 =	vsel vm1, v9, v7;
	v8 =	vsel vm1, v10, v44  }
0x147: {  	v47 =	vsel vm2, v13, v5;
	v48 =	vsel vm2, v14, v6;
	v5 =	vsel vm2, v5, v13  }
0x148: {  	v6 =	vsel vm2, v6, v14;
	vm8 =	vlt.f32 v45, v47;
	vm9 =	veq.f32 v45, v47  }
0x149: {  	vm10 =	vlt.s32 v46, v48;
	vm11 =	veq.f32 v7, v5;
	vm12 =	vlt.s32 v8, v6  }
0x14a: {  	vm13 =	vlt.f32 v7, v5;
	v49, v50, _ =	vpop (xrf1);
	vm2 =	vmand vm9, vm10;
	vm3 =	vmand vm11, vm12  }
0x14b: {  	v15, v16, _ =	vpop (xrf1);
	vm1 =	vmor vm8, vm2;
	vm2 =	vmor vm13, vm3  }
0x14c: {  	v17, v18, _ =	vpop (xrf1);
	v19 =	vsel vm1, v45, v47;
	v51 =	vsel vm2, v7, v5  }
0x14d: {  	v5 =	vsel vm2, v5, v7;
	v7 =	vperm.xlane v17, v4;
	v53 =	vperm.xlane v18, v4  }
0x14e: {  	v20 =	vsel vm1, v46, v48;
	v9 =	vsel vm1, v47, v45;
	v10 =	vsel vm1, v48, v46  }
0x14f: {  	v21, v22, _ =	vpop (xrf1);
	vm9 =	veq.f32 v15, v7;
	vm5 =	vlt.s32 v16, v53;
	vm10 =	vlt.f32 v15, v7  }
0x150: {  	v21 =	vperm.xlane v21, v4;
	v22 =	vperm.xlane v22, v4;
	vm4 =	vmand vm9, vm5  }
0x151: {  	v52 =	vsel vm2, v8, v6;
	v6 =	vsel vm2, v6, v8;
	vm11 =	vmor vm10, vm4  }
0x152: {  	vm14 =	vlt.f32 v49, v21;
	vm15 =	veq.f32 v49, v21;
	vm8 =	vlt.s32 v50, v22  }
0x153: {  	v56 =	vsel vm11, v15, v7;
	v57 =	vsel vm11, v16, v53;
	vm3 =	vmand vm15, vm8  }
0x154: {  	(xrf1) =	vsort.ascd.msk.f32 $0xffff, v19, v20;
	v7 =	vsel vm11, v7, v15;
	v59 =	vsel vm11, v53, v16;
	vm1 =	vmor vm14, vm3  }
0x155: {  	v54 =	vsel vm1, v49, v21;
	v55 =	vsel vm1, v50, v22;
	v13 =	vsel vm1, v21, v49  }
0x156: {  	v58 =	vsel vm1, v22, v50;
	vm12 =	veq.f32 v54, v56;
	vm13 =	vlt.s32 v55, v57  }
0x157: {  	(xrf1) =	vsort.ascd.msk.f32 $0xffff, v9, v10;
	vm14 =	vlt.f32 v54, v56;
	vm15 =	veq.f32 v13, v7;
	vm3 =	vmand vm12, vm13  }
0x158: {  	(xrf1) =	vsort.ascd.msk.f32 $0xffff, v51, v52;
	vm8 =	vlt.s32 v58, v59;
	vm9 =	vlt.f32 v13, v7;
	vm1 =	vmor vm14, vm3  }
0x159: {  	(xrf1) =	vsort.ascd.msk.f32 $0xffff, v5, v6;
	vm2 =	vmand vm15, vm8;
	v60 =	vsel vm1, v54, v56;
	v5 =	vsel vm1, v55, v57  }
0x15a: {  	vm10 =	vmor vm9, vm2;
	v6 =	vsel vm1, v56, v54;
	v61 =	vsel vm1, v57, v55;
	(xrf1) =	vsort.ascd.msk.f32 $0xffff, v60, v5  }
0x15b: {  	v5 =	vsel vm10, v13, v7;
	(xrf1) =	vsort.ascd.msk.f32 $0xffff, v6, v61;
	v6 =	vsel vm10, v58, v59  }
0x15c: {  	v62 =	vsel vm10, v59, v58;
	v7 =	vsel vm10, v7, v13;
	(xrf1) =	vsort.ascd.msk.f32 $0xffff, v5, v6  }
0x15d: {  	(xrf1) =	vsort.ascd.msk.f32 $0xffff, v7, v62;
	_ =	sdelay $0x6  }
0x15e: {  	v5, v6, _ =	vpop (xrf1)  }
0x15f: {  	v7, v8, _ =	vpop (xrf1)  }
0x160: {  	v9, v10, _ =	vpop (xrf1)  }
0x161: {  	v27, v63, _ =	vpop (xrf1)  }
0x162: {  	v29, v28, _ =	vpop (xrf1)  }
0x163: {  	v30, v31, _ =	vpop (xrf1);
	v13 =	vperm.xlane v29, v4;
	v14 =	vperm.xlane v28, v4  }
0x164: {  	v32, v33, _ =	vpop (xrf1);
	v15 =	vperm.xlane v30, v4;
	v16 =	vperm.xlane v31, v4  }
0x165: {  	v34, v35, _ =	vpop (xrf1);
	v17 =	vperm.xlane v32, v4;
	v18 =	vperm.xlane v33, v4  }
0x166: {  	v19 =	vperm.xlane v34, v4;
	v20 =	vperm.xlane v35, v4;
	vm9 =	veq.f32 v9, v15  }
0x167: {  	vm10 =	vlt.s32 v10, v16;
	vm14 =	veq.f32 v7, v17;
	vm15 =	vlt.s32 v8, v18  }
0x168: {  	vm8 =	vlt.f32 v7, v17;
	vm12 =	veq.f32 v5, v19;
	vm13 =	vlt.s32 v6, v20  }
0x169: {  	vm11 =	vlt.f32 v5, v19;
	vm2 =	vmand vm12, vm13;
	vm12 =	veq.f32 v27, v13  }
0x16a: {  	vm13 =	vlt.s32 v63, v14;
	vm1 =	vmor vm11, vm2;
	vm2 =	vmand vm14, vm15  }
0x16b: {  	vm11 =	vlt.f32 v9, v15;
	vm14 =	vlt.f32 v27, v13;
	v36 =	vsel vm1, v5, v19  }
0x16c: {  	v37 =	vsel vm1, v6, v20;
	v5 =	vsel vm1, v19, v5;
	vm2 =	vmor vm8, vm2  }
0x16d: {  	v6 =	vsel vm1, v20, v6;
	vm1 =	vmand vm9, vm10;
	v38 =	vsel vm2, v7, v17  }
0x16e: {  	v39 =	vsel vm2, v8, v18;
	v7 =	vsel vm2, v17, v7;
	vm1 =	vmor vm11, vm1  }
0x16f: {  	v8 =	vsel vm2, v18, v8;
	vm2 =	vmand vm12, vm13;
	v40 =	vsel vm1, v9, v15  }
0x170: {  	v41 =	vsel vm1, v10, v16;
	v9 =	vsel vm1, v15, v9;
	vm2 =	vmor vm14, vm2  }
0x171: {  	v10 =	vsel vm1, v16, v10;
	v42 =	vsel vm2, v27, v13;
	v43 =	vsel vm2, v63, v14  }
0x172: {  	vm15 =	vlt.f32 v36, v40;
	vm8 =	veq.f32 v36, v40;
	vm9 =	vlt.s32 v37, v41  }
0x173: {  	v11 =	vsel vm2, v13, v27;
	v12 =	vsel vm2, v14, v63;
	vm3 =	vmand vm8, vm9  }
0x174: {  	vm10 =	veq.f32 v38, v42;
	vm11 =	vlt.s32 v39, v43;
	vm12 =	vlt.f32 v38, v42  }
0x175: {  	vm1 =	vmor vm15, vm3;
	vm4 =	vmand vm10, vm11;
	vm10 =	veq.f32 v5, v9  }
0x176: {  	vm11 =	vlt.s32 v6, v10;
	v44 =	vsel vm1, v36, v40;
	vm3 =	vmor vm12, vm4  }
0x177: {  	v23 =	vsel vm1, v37, v41;
	v45 =	vsel vm1, v40, v36;
	v46 =	vsel vm1, v41, v37  }
0x178: {  	vm12 =	veq.f32 v7, v11;
	v24 =	vsel vm3, v38, v42;
	v25 =	vsel vm3, v39, v43  }
0x179: {  	v15 =	vsel vm3, v42, v38;
	vm13 =	veq.f32 v44, v24;
	vm14 =	vlt.s32 v23, v25  }
0x17a: {  	v16 =	vsel vm3, v43, v39;
	vm15 =	vlt.f32 v44, v24;
	vm2 =	vmand vm13, vm14  }
0x17b: {  	vm8 =	veq.f32 v45, v15;
	vm3 =	vlt.s32 v46, v16;
	vm7 =	vmor vm15, vm2  }
0x17c: {  	vm9 =	vlt.f32 v45, v15;
	v47 =	vsel vm7, v44, v24;
	v48 =	vsel vm7, v23, v25  }
0x17d: {  	vm13 =	vlt.s32 v8, v12;
	vm14 =	vlt.f32 v5, v9;
	vm2 =	vmand vm8, vm3;
	(xrf1) =	vsort.ascd.msk.f32 $0xffff, v47, v48  }
0x17e: {  	vm3 =	vmand vm12, vm13;
	vm15 =	vlt.f32 v7, v11;
	v13 =	vsel vm7, v24, v44  }
0x17f: {  	v49 =	vsel vm7, v25, v23;
	vm1 =	vmor vm9, vm2;
	vm2 =	vmand vm10, vm11  }
0x180: {  	vm3 =	vmor vm15, vm3;
	vm2 =	vmor vm14, vm2;
	v50 =	vsel vm1, v45, v15;
	(xrf1) =	vsort.ascd.msk.f32 $0xffff, v13, v49  }
0x181: {  	v51 =	vsel vm1, v46, v16;
	v7 =	vsel vm3, v7, v11;
	v8 =	vsel vm3, v8, v12  }
0x182: {  	v5 =	vsel vm2, v5, v9;
	v6 =	vsel vm2, v6, v10;
	(xrf1) =	vsort.ascd.msk.f32 $0xffff, v50, v51  }
0x183: {  	v14 =	vsel vm1, v15, v45;
	vm8 =	veq.f32 v5, v7;
	vm3 =	vlt.s32 v6, v8  }
0x184: {  	v52 =	vsel vm1, v16, v46;
	vm10 =	vlt.f32 v5, v7;
	vm9 =	vmand vm8, vm3  }
0x185: {  	(xrf1) =	vsort.ascd.msk.f32 $0xffff, v14, v52;
	vm1 =	vmor vm10, vm9  }
0x186: {  	v5 =	vsel vm1, v5, v7;
	v6 =	vsel vm1, v6, v8  }
0x187: {  	(xrf1) =	vsort.ascd.msk.f32 $0xffff, v5, v6  }
0x188: {  	s26 =	smul.u32 $0x41, s23;
	v5 =	vmpcnt.ones.xlane vm0;
	_ =	sdelay $0x1  }
0x189: {  	(v2sf) =	vpush v5, $0x0;
	v5 =	vadd.s32 s26, v0  }
0x18a: {  	v6, v7, _ =	vpop (xrf1)  }
0x18b: {  	s28 =	sadd.s32 $0x10, s26;
	vm11 =	vle.f32 v6, $1.000000000e+00  }
0x18c: {  	v53 =	vadd.s32 s28, v0;
	v6 =	vnsel vm11, $0x0, v6  }
0x18d: {  	s29 =	sadd.s32 $0x20, s26;
	v55, v54, _ =	vpop (xrf1)  }
0x18e: {  	v56 =	vadd.s32 s29, v0;
	v7 =	vnsel vm11, $0xFFFFFFFF, v7;
	vm12 =	vle.f32 v55, $1.000000000e+00;
	[tilespmem:v5+s20+$0x0] =	vst.idx.msk $0xffff, v6  }
0x18f: {  	s30 =	sadd.s32 $0x30, s26;
	[tilespmem:v5+s21+$0x0] =	vst.idx.msk $0xffff, v7;
	v5 =	vnsel vm12, $0x0, v55;
	v6, v57, _ =	vpop (xrf1)  }
0x190: {  	v7 =	vadd.s32 s30, v0;
	vm13 =	vle.f32 v6, $1.000000000e+00  }
0x191: {  	s24 =	sadd.s32 $0x40, s26;
	v58 =	vnsel vm12, $0xFFFFFFFF, v54;
	[tilespmem:v53+s20+$0x0] =	vst.idx.msk $0xffff, v5;
	v6 =	vnsel vm13, $0x0, v6  }
0x192: {  	s23 =	sadd.s32 $0x1, s23;
	v60 =	vadd.s32 s24, v0;
	[tilespmem:v53+s21+$0x0] =	vst.idx.msk $0xffff, v58;
	v5, v59, _ =	vpop (xrf1)  }
0x193: {  	p0 =	sne.s32 s23, $0x200;
	v61 =	vnsel vm13, $0xFFFFFFFF, v57;
	[tilespmem:v56+s20+$0x0] =	vst.idx.msk $0xffff, v6;
	vm14 =	vle.f32 v5, $1.000000000e+00  }
.Ltmp6:
0x194: {  	[tilespmem:v56+s21+$0x0] =	vst.idx.msk $0xffff, v61;
	v5 =	vnsel vm14, $0x0, v5;
	v6, v62, _ =	vpop (xrf1);
	(pc) =	sbr.rel @p0 .LBB2_4-.Ltmp6, $4  }
0x195: {  	v63 =	vnsel vm14, $0xFFFFFFFF, v59;
	[tilespmem:v7+s20+$0x0] =	vst.idx.msk $0xffff, v5;
	vm15 =	vle.f32 v6, $1.000000000e+00  }
0x196: {  	[tilespmem:v7+s21+$0x0] =	vst.idx.msk $0xffff, v63;
	v5 =	vnsel vm15, $0x0, v6  }
0x197: {  	v6 =	vnsel vm15, $0xFFFFFFFF, v62;
	[tilespmem:v60+s20+$0x0] =	vst.idx.msk $0x1, v5  }
0x198: {  	s31 =	spop (v2sf);
	[tilespmem:v60+s21+$0x0] =	vst.idx.msk $0x1, v6  }
0x199: {  	[hbm4b:s8+s2] =	stream.linear.scatter [tilespmem:s21], [sflag:$0x1], $0x8200, $0x38;
	[tilespmem:$0x15600] =	vst v63  }
0x19a: {  	s22 =	sadd.s32 $0x1, s22;
	_ =	swait.ge [sflag:s11], $0x8200  }
0x19b: {  	p0 =	sne.s32 s22, s10;
	[sflag:s11] =	ssyncset.done $0x0  }
.Ltmp7:
0x19c: {  	[sflag:s11] =	ssyncadd.s32 $0xFFFF7E00;
	(pc) =	sbr.rel @p0 .LBB2_1-.Ltmp7, $4  }
0x19d: {  	[hbm4b:s9+s2] =	stream.linear.scatter [tilespmem:s20], [sflag:$0x1], $0x8200, $0x38;
	[tilespmem:$0x15600] =	vst v63  }
0x19e: {  	_ =	swait.ge [sflag:s11], $0x8200  }
0x19f: {  	[sflag:s11] =	ssyncset.done $0x0  }
0x1a0: {  	[sflag:s11] =	ssyncadd.s32 $0xFFFF7E00  }
0x1a1: {  	_ =	sfence.sel $0x180000  }
0x1a2: {  	[bflag:$0x0] =	sbarrier.arrive $0xFFFF  }
0x1a3: {  	p0 =	sne.s32 s0, $0x0;
	_ =	strace $0x90000047  }
0x1a4: {  	s0 =	sadd.s32 @!p0 $0x100000, s1;
	[bflag:$0x2] =	sbarrier.arrive $0xFFFF  }
0x1a5: {  	[sflag:s0] =	ssyncadd.tile.s32 @!p0 $0x1;
	_ =	shalt  }
.Lfunc_end2:
_tile_overlayer_lowered:
.L_overlay_start_2:
0x1a6: {  	(tag) =	ssettag $0x2  }
0x1a7: {  	s0 =	rddreg [dreg:$0x0];
	s2 =	stileid.u32  }
0x1a8: {  	s1 =	rddreg [dreg:$0x1];
	p0 =	sne.s32 s2, $0x0  }
0x1a9: {  	s3 =	rddreg [dreg:$0x2];
	[bflag:$0x3] =	sbarrier.arrive $0xFFFF;
	s2 =	simm.s32 @!p0 $0x1C01  }
0x1aa: {  	[timem:s3], [sflag:s2] =	dma.local @!p0 [hbm:s0], s1  }
0x1ab: {  	s0 =	simm.s32 @!p0 $0x1  }
0x1ac: {  	_ =	swait.ge @!p0 [sflag:s0], s1  }
0x1ad: {  	s1 =	ssub.s32 @!p0 $0x0, s1;
	[sflag:s0] =	ssyncset.done @!p0 $0x0  }
0x1ae: {  	[sflag:s0] =	ssyncadd.s32 @!p0 s1  }
0x1af: {  	[bflag:$0x3] =	sbarrier.arrive $0xFFFF  }
0x1b0: {  	_ =	shalt  }

</sc_bundles>
